<compile_context>
chip_gen: v7x
topology: tpu7x:2x2x1
jax: 0.10.2.dev20260603
libtpu: 0.0.44.dev20260713+nightly
codegen_flags: <defaults>
</compile_context>

<pallas_src>
import functools

import jax
import jax.numpy as jnp
from jax import lax
from jax.experimental import pallas as pl
from jax.experimental.pallas import tpu as pltpu
from jax.experimental.pallas import tpu_sc as plsc

N = 10000
E = 320000
F_IN = 128
H = 64
C = 7

NC = 2
NS = 16
NW = NC * NS
CHUNK = 128
CH = -(-E // (NW * CHUNK))
E_PAD = NW * CH * CHUNK
TOT = E_PAD // CHUNK
N_PAD = ((N + 1 + NS * 8 - 1) // (NS * 8)) * (NS * 8)
RPT = N_PAD // NS
DCOL = 16
NBUF = 4
LOOKAHEAD = NBUF - 2
CPT = TOT // NS
CH0_L2 = 120

def _build_agg(mesh, D, ch0, with_deg):
    ch1 = 2 * CH - ch0
    chm = max(ch0, ch1)
    base1 = NS * ch0

    out_type = [jax.ShapeDtypeStruct((NC, N_PAD, D), jnp.float32)]
    scratch = [
        pltpu.VMEM((chm, CHUNK), jnp.int32),
        pltpu.VMEM((chm, CHUNK), jnp.int32),
        pltpu.VMEM((NBUF, CHUNK, D), jnp.float32),
        pltpu.VMEM_SHARED((N_PAD, D), jnp.float32),
        pltpu.SemaphoreType.DMA((NBUF,)),
        pltpu.SemaphoreType.DMA((NBUF,)),
    ]
    if with_deg:
        out_type.append(jax.ShapeDtypeStruct((NC, N_PAD, DCOL), jnp.float32))
        scratch += [
            pltpu.VMEM((CHUNK, DCOL), jnp.float32),
            pltpu.VMEM_SHARED((N_PAD, DCOL), jnp.float32),
            pltpu.SemaphoreType.DMA((2,)),
        ]

    @functools.partial(
        pl.kernel,
        mesh=mesh,
        compiler_params=pltpu.CompilerParams(use_tc_tiling_on_sc=False),
        out_type=tuple(out_type) if with_deg else out_type[0],
        scratch_types=tuple(scratch),
    )
    def agg(*refs):
        if with_deg:
            (z_hbm, src_hbm, dst_hbm, zeros_hbm, zeros_d_hbm, ones_hbm,
             out_hbm, deg_hbm,
             src_v, dst_v, rows_v, acc_sh, gsem, ssem,
             ones_v, deg_sh, osem) = refs
        else:
            (z_hbm, src_hbm, dst_hbm, zeros_hbm,
             out_hbm,
             src_v, dst_v, rows_v, acc_sh, gsem, ssem) = refs
        cid = lax.axis_index("c")
        sid = lax.axis_index("s")
        r0 = sid * RPT
        for off in range(0, RPT, 128):
            sz = min(128, RPT - off)
            pltpu.sync_copy(zeros_hbm.at[pl.ds(0, sz)],
                            acc_sh.at[pl.ds(r0 + off, sz)])
        if with_deg:
            pltpu.sync_copy(zeros_d_hbm.at[pl.ds(r0, RPT)],
                            deg_sh.at[pl.ds(r0, RPT)])
            pltpu.sync_copy(ones_hbm, ones_v)

        @pl.when(cid == 0)
        def _():
            pltpu.sync_copy(src_hbm.at[pl.ds(sid * ch0, ch0)],
                            src_v.at[pl.ds(0, ch0)])
            pltpu.sync_copy(dst_hbm.at[pl.ds(sid * ch0, ch0)],
                            dst_v.at[pl.ds(0, ch0)])

        @pl.when(cid == 1)
        def _():
            pltpu.sync_copy(src_hbm.at[pl.ds(base1 + sid * ch1, ch1)],
                            src_v.at[pl.ds(0, ch1)])
            pltpu.sync_copy(dst_hbm.at[pl.ds(base1 + sid * ch1, ch1)],
                            dst_v.at[pl.ds(0, ch1)])

        nch = jnp.where(cid == 0, ch0, ch1)
        plsc.subcore_barrier()

        def gather(j):
            return pltpu.make_async_copy(
                z_hbm.at[src_v.at[j]], rows_v.at[lax.rem(j, NBUF)],
                gsem.at[lax.rem(j, NBUF)])

        def scat(j):
            return pltpu.make_async_copy(
                rows_v.at[lax.rem(j, NBUF)], acc_sh.at[dst_v.at[j]],
                ssem.at[lax.rem(j, NBUF)])

        def deg_scat(j):
            return pltpu.make_async_copy(
                ones_v, deg_sh.at[dst_v.at[j]], osem.at[lax.rem(j, 2)])

        for b in range(LOOKAHEAD):
            gather(b).start()

        def body(j, carry):
            gather(j).wait()
            scat(j).start(add=True)

            @pl.when(j >= 2)
            def _():
                scat(j - 2).wait()

            @pl.when(j + LOOKAHEAD < nch)
            def _():
                gather(j + LOOKAHEAD).start()

            if with_deg:
                @pl.when(j >= 2)
                def _():
                    deg_scat(j - 2).wait()

                deg_scat(j).start(add=True)
            return carry

        lax.fori_loop(0, nch, body, 0)
        for t in (2, 1):
            scat(nch - t).wait()
            if with_deg:
                deg_scat(nch - t).wait()
        plsc.subcore_barrier()
        pltpu.sync_copy(acc_sh.at[pl.ds(r0, RPT)],
                        out_hbm.at[cid, pl.ds(r0, RPT)])
        if with_deg:
            pltpu.sync_copy(deg_sh.at[pl.ds(r0, RPT)],
                            deg_hbm.at[cid, pl.ds(r0, RPT)])

    return agg


def _build_agg1(mesh):

    @functools.partial(
        pl.kernel,
        mesh=mesh,
        compiler_params=pltpu.CompilerParams(use_tc_tiling_on_sc=False),
        out_type=(
            jax.ShapeDtypeStruct((NC, N_PAD, H), jnp.float32),
            jax.ShapeDtypeStruct((NC, N_PAD, DCOL), jnp.float32),
        ),
        scratch_types=(
            pltpu.VMEM((CPT, CHUNK), jnp.int32),
            pltpu.VMEM((CPT, CHUNK), jnp.int32),
            pltpu.VMEM((NBUF, CHUNK, H), jnp.float32),
            pltpu.VMEM((CHUNK, DCOL), jnp.float32),
            pltpu.VMEM_SHARED((N_PAD, H), jnp.float32),
            pltpu.VMEM_SHARED((N_PAD, DCOL), jnp.float32),
            pltpu.SemaphoreType.DMA((NBUF,)),
            pltpu.SemaphoreType.DMA((NBUF,)),
            pltpu.SemaphoreType.DMA((2,)),
        ),
    )
    def agg1(z_hbm, src_hbm, dst_hbm, zeros_h_hbm, zeros_d_hbm, ones_hbm,
             out_hbm, deg_hbm,
             src_v, dst_v, rows_v, ones_v, acc_sh, deg_sh,
             gsem, ssem, osem):
        cid = lax.axis_index("c")
        sid = lax.axis_index("s")
        r0 = sid * RPT
        c0 = sid * CPT

        @pl.when(cid == 0)
        def _():
            for off in range(0, RPT, 128):
                sz = min(128, RPT - off)
                pltpu.sync_copy(zeros_h_hbm.at[pl.ds(0, sz)],
                                acc_sh.at[pl.ds(r0 + off, sz)])
            pltpu.sync_copy(src_hbm.at[pl.ds(c0, CPT)], src_v)
            pltpu.sync_copy(dst_hbm.at[pl.ds(c0, CPT)], dst_v)
            plsc.subcore_barrier()

            def gather(j):
                return pltpu.make_async_copy(
                    z_hbm.at[src_v.at[j]], rows_v.at[lax.rem(j, NBUF)],
                    gsem.at[lax.rem(j, NBUF)])

            def scat(j):
                return pltpu.make_async_copy(
                    rows_v.at[lax.rem(j, NBUF)], acc_sh.at[dst_v.at[j]],
                    ssem.at[lax.rem(j, NBUF)])

            for b in range(LOOKAHEAD):
                gather(b).start()

            def body(j, carry):
                gather(j).wait()
                scat(j).start(add=True)

                @pl.when(j >= 2)
                def _():
                    scat(j - 2).wait()

                @pl.when(j + LOOKAHEAD < CPT)
                def _():
                    gather(j + LOOKAHEAD).start()

                return carry

            lax.fori_loop(0, CPT, body, 0)
            for j in range(CPT - 2, CPT):
                scat(j).wait()
            plsc.subcore_barrier()
            pltpu.sync_copy(acc_sh.at[pl.ds(r0, RPT)],
                            out_hbm.at[cid, pl.ds(r0, RPT)])

        @pl.when(cid == 1)
        def _():
            for off in range(0, RPT, 128):
                sz = min(128, RPT - off)
                pltpu.sync_copy(zeros_d_hbm.at[pl.ds(0, sz)],
                                deg_sh.at[pl.ds(r0 + off, sz)])
            pltpu.sync_copy(dst_hbm.at[pl.ds(c0, CPT)], dst_v)
            pltpu.sync_copy(ones_hbm, ones_v)
            plsc.subcore_barrier()

            def deg_scat(j):
                return pltpu.make_async_copy(
                    ones_v, deg_sh.at[dst_v.at[j]], osem.at[lax.rem(j, 2)])

            def body(j, carry):
                @pl.when(j >= 2)
                def _():
                    deg_scat(j - 2).wait()

                deg_scat(j).start(add=True)
                return carry

            lax.fori_loop(0, CPT, body, 0)
            for j in range(CPT - 2, CPT):
                deg_scat(j).wait()
            plsc.subcore_barrier()
            pltpu.sync_copy(deg_sh.at[pl.ds(r0, RPT)],
                            deg_hbm.at[cid, pl.ds(r0, RPT)])

    return agg1


@functools.lru_cache(maxsize=None)
def _sc_kernels():
    mesh = plsc.VectorSubcoreMesh(core_axis_name="c", subcore_axis_name="s")
    sc_agg1 = _build_agg1(mesh)
    sc_agg2 = _build_agg(mesh, DCOL, CH0_L2, with_deg=False)
    return sc_agg1, sc_agg2


_RB = 2000


def _tc_pre_body(x_ref, wl_ref, wr_ref, z_ref, y_ref):
    x = x_ref[...]
    dn = (((1,), (1,)), ((), ()))
    z_ref[...] = lax.dot_general(x, wl_ref[...], dn,
                                 preferred_element_type=jnp.float32)
    y_ref[...] = lax.dot_general(x, wr_ref[...], dn,
                                 preferred_element_type=jnp.float32)


def _tc_pre(x, w1l, w1r):
    return pl.pallas_call(
        _tc_pre_body,
        grid=(N // _RB,),
        in_specs=[
            pl.BlockSpec((_RB, F_IN), lambda i: (i, 0)),
            pl.BlockSpec((H, F_IN), lambda i: (0, 0)),
            pl.BlockSpec((H, F_IN), lambda i: (0, 0)),
        ],
        out_specs=[
            pl.BlockSpec((_RB, H), lambda i: (i, 0)),
            pl.BlockSpec((_RB, H), lambda i: (i, 0)),
        ],
        out_shape=[
            jax.ShapeDtypeStruct((N, H), jnp.float32),
            jax.ShapeDtypeStruct((N, H), jnp.float32),
        ],
    )(x, w1l, w1r)


def _tc_mid_body(p_ref, d_ref, y1_ref, b1_ref, w2l_ref, w2r_ref,
                 z2_ref, y2_ref):
    agg = p_ref[0]
    deg = d_ref[0][:, 0:1]
    dinv = 1.0 / jnp.maximum(deg, 1.0)
    h = jnp.maximum(agg * dinv + b1_ref[...] + y1_ref[...], 0.0)
    dn = (((1,), (1,)), ((), ()))
    z2_ref[...] = lax.dot_general(h, w2l_ref[...], dn,
                                  preferred_element_type=jnp.float32)
    y2_ref[...] = lax.dot_general(h, w2r_ref[...], dn,
                                  preferred_element_type=jnp.float32)


def _tc_mid(p, d, y1, b1, w2l_p, w2r_p):
    return pl.pallas_call(
        _tc_mid_body,
        grid=(N // _RB,),
        in_specs=[
            pl.BlockSpec((1, _RB, H), lambda i: (0, i, 0)),
            pl.BlockSpec((1, _RB, DCOL), lambda i: (1, i, 0)),
            pl.BlockSpec((_RB, H), lambda i: (i, 0)),
            pl.BlockSpec((1, H), lambda i: (0, 0)),
            pl.BlockSpec((DCOL, H), lambda i: (0, 0)),
            pl.BlockSpec((DCOL, H), lambda i: (0, 0)),
        ],
        out_specs=[
            pl.BlockSpec((_RB, DCOL), lambda i: (i, 0)),
            pl.BlockSpec((_RB, DCOL), lambda i: (i, 0)),
        ],
        out_shape=[
            jax.ShapeDtypeStruct((N, DCOL), jnp.float32),
            jax.ShapeDtypeStruct((N, DCOL), jnp.float32),
        ],
    )(p, d, y1, b1, w2l_p, w2r_p)


def _tc_post_body(q_ref, d_ref, y2_ref, b2_ref, out_ref):
    s = q_ref[0] + q_ref[1]
    deg = d_ref[0][:, 0:1]
    dinv = 1.0 / jnp.maximum(deg, 1.0)
    o = (s * dinv + b2_ref[...] + y2_ref[...])[:, :C]
    m = jnp.max(o, axis=1, keepdims=True)
    ex = jnp.exp(o - m)
    lse = jnp.log(jnp.sum(ex, axis=1, keepdims=True))
    out_ref[...] = o - m - lse


def _tc_post(q, d, y2, b2_p):
    return pl.pallas_call(
        _tc_post_body,
        grid=(N // _RB,),
        in_specs=[
            pl.BlockSpec((NC, _RB, DCOL), lambda i: (0, i, 0)),
            pl.BlockSpec((1, _RB, DCOL), lambda i: (1, i, 0)),
            pl.BlockSpec((_RB, DCOL), lambda i: (i, 0)),
            pl.BlockSpec((1, DCOL), lambda i: (0, 0)),
        ],
        out_specs=pl.BlockSpec((_RB, C), lambda i: (i, 0)),
        out_shape=jax.ShapeDtypeStruct((N, C), jnp.float32),
    )(q, d, y2, b2_p)


def kernel(x, edge_index, W1_l, W1_r, b1, W2_l, W2_r, b2):
    src = edge_index[0].astype(jnp.int32)
    dst = edge_index[1].astype(jnp.int32)
    pad = E_PAD - E
    src2 = jnp.concatenate(
        [src, jnp.zeros((pad,), jnp.int32)]).reshape(TOT, CHUNK)
    dst2 = jnp.concatenate(
        [dst, jnp.full((pad,), N, jnp.int32)]).reshape(TOT, CHUNK)
    zeros_h = jnp.zeros((128, H), jnp.float32)
    zeros_d = jnp.zeros((128, DCOL), jnp.float32)
    ones = jnp.ones((CHUNK, DCOL), jnp.float32)
    w2l_p = jnp.pad(W2_l, ((0, DCOL - C), (0, 0)))
    w2r_p = jnp.pad(W2_r, ((0, DCOL - C), (0, 0)))
    b2_p = jnp.pad(b2, (0, DCOL - C)).reshape(1, DCOL)

    sc_agg1, sc_agg2 = _sc_kernels()
    z1, y1 = _tc_pre(x, W1_l, W1_r)
    p, d = sc_agg1(z1, src2, dst2, zeros_h, zeros_d, ones)
    z2, y2 = _tc_mid(p, d, y1, b1.reshape(1, H), w2l_p, w2r_p)
    q = sc_agg2(z2, src2, dst2, zeros_d)
    return _tc_post(q, d, y2, b2_p)

# --- scband reference (transcript-rebuilt; emitter-appended) ---
"""Pipeline reference for scband-graph-sagewith-sampling-41248865911074 (READ-ONLY COPY).

The authoritative reference and input builder live on the scoring server;
editing this copy changes nothing except your own understanding.
"""

import jax, jax.numpy as jnp
import numpy as np

N = 10000
E = 320000
F_IN = 128
H = 64
C = 7


def setup_inputs(seed: int = 0) -> dict:
    key = jax.random.key(seed)
    ks = jax.random.split(key, 8)
    x = jax.random.normal(ks[0], (N, F_IN), dtype=jnp.float32)
    edge_index = jax.random.randint(ks[1], (2, E), 0, N, dtype=jnp.int32).astype(jnp.int64)
    # SAGEConv params (PyG-style): out = lin_l(mean_neighbors) + lin_r(x_self)
    W1_l = jax.random.normal(ks[2], (H, F_IN), dtype=jnp.float32) * (1.0 / np.sqrt(F_IN))
    W1_r = jax.random.normal(ks[3], (H, F_IN), dtype=jnp.float32) * (1.0 / np.sqrt(F_IN))
    b1 = jnp.zeros((H,), dtype=jnp.float32)
    W2_l = jax.random.normal(ks[4], (C, H), dtype=jnp.float32) * (1.0 / np.sqrt(H))
    W2_r = jax.random.normal(ks[5], (C, H), dtype=jnp.float32) * (1.0 / np.sqrt(H))
    b2 = jnp.zeros((C,), dtype=jnp.float32)
    return {"x": x, "edge_index": edge_index, "W1_l": W1_l, "W1_r": W1_r, "b1": b1,
            "W2_l": W2_l, "W2_r": W2_r, "b2": b2}


def _sage_conv(x, edge_index, W_l, W_r, b):
    # messages flow src (edge_index[0]) -> dst (edge_index[1]); mean aggregation at dst
    src = edge_index[0]
    dst = edge_index[1]
    msg = jnp.take(x, src, axis=0)                       # gather   [E, d]
    agg = jax.ops.segment_sum(msg, dst, num_segments=x.shape[0])  # scatter-add
    deg = jax.ops.segment_sum(jnp.ones((edge_index.shape[1],), dtype=x.dtype), dst,
                              num_segments=x.shape[0])
    agg = agg / jnp.clip(deg, 1.0, None)[:, None]
    return agg @ W_l.T + b + x @ W_r.T


def reference(x, edge_index, W1_l, W1_r, b1, W2_l, W2_r, b2):
    h = _sage_conv(x, edge_index, W1_l, W1_r, b1)
    h = jax.nn.relu(h)
    # dropout is identity in eval mode (training=False)
    out = _sage_conv(h, edge_index, W2_l, W2_r, b2)
    return jax.nn.log_softmax(out, axis=1)

if __name__ == "__main__":
    import jax
    _d = setup_inputs()
    print(jax.jit(kernel)(*tuple(_d.values())))

</pallas_src>

<mosaic_0001>
#map = affine_map<(d0, d1) -> (0, 0)>
#map1 = affine_map<(d0, d1) -> (0, 0, 0)>
module attributes {stable_mosaic.version = 14 : i64} {
  func.func @agg(%arg0: i32, %arg1: i32, %arg2: memref<10000x16xf32, #tpu.memory_space<hbm>>, %arg3: memref<2528x128xi32, #tpu.memory_space<hbm>>, %arg4: memref<2528x128xi32, #tpu.memory_space<hbm>>, %arg5: memref<128x16xf32, #tpu.memory_space<hbm>>, %arg6: memref<2x10112x16xf32, #tpu.memory_space<hbm>>, %arg7: memref<120x128xi32, #tpu.memory_space<vmem>>, %arg8: memref<120x128xi32, #tpu.memory_space<vmem>>, %arg9: memref<4x128x16xf32, #tpu.memory_space<vmem>>, %arg10: memref<10112x16xf32, #tpu.memory_space<vmem_shared>>, %arg11: memref<4x!tpu.dma_semaphore, #tpu.memory_space<semaphore_mem>>, %arg12: memref<4x!tpu.dma_semaphore, #tpu.memory_space<semaphore_mem>>) attributes {dimension_semantics = [#tpu.dimension_semantics<core_parallel>, #tpu.dimension_semantics<subcore_parallel>], iteration_bounds = array<i64: 2, 16>, scalar_prefetch = 0 : i64, scratch_operands = 6 : i64, tpu.core_type = #tpu.core_type<sc_vector_subcore>, window_params = [{transform_indices = #map}, {transform_indices = #map}, {transform_indices = #map}, {transform_indices = #map}, {transform_indices = #map1}]} {
    %mul3A = arith.constant 632 : i32
    %mul3A_0 = arith.muli %arg1, %mul3A : i32
    %add3A = arith.constant 0 : i32
    %add3A_1 = arith.addi %mul3A_0, %add3A : i32
    "tpu.region"() ({
      %run_scoped3A = tpu.sem_alloc : memref<!tpu.dma_semaphore, #tpu.memory_space<semaphore_mem>>
      %dma_start3A_100 = arith.constant 0 : i32
      %dma_start3A_101 = tpu.memref_slice %arg10[%add3A_1, %dma_start3A_100] : memref<10112x16xf32, #tpu.memory_space<vmem_shared>> -> memref<128x16xf32, #tpu.memory_space<vmem_shared>>
      %dma_start3A_102 = arith.constant 0 : i32
      %dma_start3A_103 = arith.constant 0 : i32
      %dma_start3A_104 = tpu.memref_slice %arg5[%dma_start3A_102, %dma_start3A_103] : memref<128x16xf32, #tpu.memory_space<hbm>> -> memref<128x16xf32, #tpu.memory_space<hbm>>
      tpu.enqueue_dma source(%dma_start3A_104 : memref<128x16xf32, #tpu.memory_space<hbm>>) target(%dma_start3A_101 : memref<128x16xf32, #tpu.memory_space<vmem_shared>>) target_semaphore(%run_scoped3A : memref<!tpu.dma_semaphore, #tpu.memory_space<semaphore_mem>>)
      %dma_wait3A_105 = arith.constant 0 : i32
      %dma_wait3A_106 = tpu.memref_slice %arg10[%add3A_1, %dma_wait3A_105] : memref<10112x16xf32, #tpu.memory_space<vmem_shared>> -> memref<128x16xf32, #tpu.memory_space<vmem_shared>>
      %dma_wait3A_107 = arith.constant 0 : i32
      %dma_wait3A_108 = arith.constant 0 : i32
      %dma_wait3A_109 = tpu.memref_slice %arg5[%dma_wait3A_107, %dma_wait3A_108] : memref<128x16xf32, #tpu.memory_space<hbm>> -> memref<128x16xf32, #tpu.memory_space<hbm>>
      tpu.wait_dma2 semaphore(%run_scoped3A : memref<!tpu.dma_semaphore, #tpu.memory_space<semaphore_mem>>) src(%dma_wait3A_109 : memref<128x16xf32, #tpu.memory_space<hbm>>) dst(%dma_wait3A_106 : memref<128x16xf32, #tpu.memory_space<vmem_shared>>)
      tpu.yield
    }) : () -> ()
    %add3A_2 = arith.constant 128 : i32
    %add3A_3 = arith.addi %mul3A_0, %add3A_2 : i32
    "tpu.region"() ({
      %run_scoped3A = tpu.sem_alloc : memref<!tpu.dma_semaphore, #tpu.memory_space<semaphore_mem>>
      %dma_start3A_100 = arith.constant 0 : i32
      %dma_start3A_101 = tpu.memref_slice %arg10[%add3A_3, %dma_start3A_100] : memref<10112x16xf32, #tpu.memory_space<vmem_shared>> -> memref<128x16xf32, #tpu.memory_space<vmem_shared>>
      %dma_start3A_102 = arith.constant 0 : i32
      %dma_start3A_103 = arith.constant 0 : i32
      %dma_start3A_104 = tpu.memref_slice %arg5[%dma_start3A_102, %dma_start3A_103] : memref<128x16xf32, #tpu.memory_space<hbm>> -> memref<128x16xf32, #tpu.memory_space<hbm>>
      tpu.enqueue_dma source(%dma_start3A_104 : memref<128x16xf32, #tpu.memory_space<hbm>>) target(%dma_start3A_101 : memref<128x16xf32, #tpu.memory_space<vmem_shared>>) target_semaphore(%run_scoped3A : memref<!tpu.dma_semaphore, #tpu.memory_space<semaphore_mem>>)
      %dma_wait3A_105 = arith.constant 0 : i32
      %dma_wait3A_106 = tpu.memref_slice %arg10[%add3A_3, %dma_wait3A_105] : memref<10112x16xf32, #tpu.memory_space<vmem_shared>> -> memref<128x16xf32, #tpu.memory_space<vmem_shared>>
      %dma_wait3A_107 = arith.constant 0 : i32
      %dma_wait3A_108 = arith.constant 0 : i32
      %dma_wait3A_109 = tpu.memref_slice %arg5[%dma_wait3A_107, %dma_wait3A_108] : memref<128x16xf32, #tpu.memory_space<hbm>> -> memref<128x16xf32, #tpu.memory_space<hbm>>
      tpu.wait_dma2 semaphore(%run_scoped3A : memref<!tpu.dma_semaphore, #tpu.memory_space<semaphore_mem>>) src(%dma_wait3A_109 : memref<128x16xf32, #tpu.memory_space<hbm>>) dst(%dma_wait3A_106 : memref<128x16xf32, #tpu.memory_space<vmem_shared>>)
      tpu.yield
    }) : () -> ()
    %add3A_4 = arith.constant 256 : i32
    %add3A_5 = arith.addi %mul3A_0, %add3A_4 : i32
    "tpu.region"() ({
      %run_scoped3A = tpu.sem_alloc : memref<!tpu.dma_semaphore, #tpu.memory_space<semaphore_mem>>
      %dma_start3A_100 = arith.constant 0 : i32
      %dma_start3A_101 = tpu.memref_slice %arg10[%add3A_5, %dma_start3A_100] : memref<10112x16xf32, #tpu.memory_space<vmem_shared>> -> memref<128x16xf32, #tpu.memory_space<vmem_shared>>
      %dma_start3A_102 = arith.constant 0 : i32
      %dma_start3A_103 = arith.constant 0 : i32
      %dma_start3A_104 = tpu.memref_slice %arg5[%dma_start3A_102, %dma_start3A_103] : memref<128x16xf32, #tpu.memory_space<hbm>> -> memref<128x16xf32, #tpu.memory_space<hbm>>
      tpu.enqueue_dma source(%dma_start3A_104 : memref<128x16xf32, #tpu.memory_space<hbm>>) target(%dma_start3A_101 : memref<128x16xf32, #tpu.memory_space<vmem_shared>>) target_semaphore(%run_scoped3A : memref<!tpu.dma_semaphore, #tpu.memory_space<semaphore_mem>>)
      %dma_wait3A_105 = arith.constant 0 : i32
      %dma_wait3A_106 = tpu.memref_slice %arg10[%add3A_5, %dma_wait3A_105] : memref<10112x16xf32, #tpu.memory_space<vmem_shared>> -> memref<128x16xf32, #tpu.memory_space<vmem_shared>>
      %dma_wait3A_107 = arith.constant 0 : i32
      %dma_wait3A_108 = arith.constant 0 : i32
      %dma_wait3A_109 = tpu.memref_slice %arg5[%dma_wait3A_107, %dma_wait3A_108] : memref<128x16xf32, #tpu.memory_space<hbm>> -> memref<128x16xf32, #tpu.memory_space<hbm>>
      tpu.wait_dma2 semaphore(%run_scoped3A : memref<!tpu.dma_semaphore, #tpu.memory_space<semaphore_mem>>) src(%dma_wait3A_109 : memref<128x16xf32, #tpu.memory_space<hbm>>) dst(%dma_wait3A_106 : memref<128x16xf32, #tpu.memory_space<vmem_shared>>)
      tpu.yield
    }) : () -> ()
    %add3A_6 = arith.constant 384 : i32
    %add3A_7 = arith.addi %mul3A_0, %add3A_6 : i32
    "tpu.region"() ({
      %run_scoped3A = tpu.sem_alloc : memref<!tpu.dma_semaphore, #tpu.memory_space<semaphore_mem>>
      %dma_start3A_100 = arith.constant 0 : i32
      %dma_start3A_101 = tpu.memref_slice %arg10[%add3A_7, %dma_start3A_100] : memref<10112x16xf32, #tpu.memory_space<vmem_shared>> -> memref<128x16xf32, #tpu.memory_space<vmem_shared>>
      %dma_start3A_102 = arith.constant 0 : i32
      %dma_start3A_103 = arith.constant 0 : i32
      %dma_start3A_104 = tpu.memref_slice %arg5[%dma_start3A_102, %dma_start3A_103] : memref<128x16xf32, #tpu.memory_space<hbm>> -> memref<128x16xf32, #tpu.memory_space<hbm>>
      tpu.enqueue_dma source(%dma_start3A_104 : memref<128x16xf32, #tpu.memory_space<hbm>>) target(%dma_start3A_101 : memref<128x16xf32, #tpu.memory_space<vmem_shared>>) target_semaphore(%run_scoped3A : memref<!tpu.dma_semaphore, #tpu.memory_space<semaphore_mem>>)
      %dma_wait3A_105 = arith.constant 0 : i32
      %dma_wait3A_106 = tpu.memref_slice %arg10[%add3A_7, %dma_wait3A_105] : memref<10112x16xf32, #tpu.memory_space<vmem_shared>> -> memref<128x16xf32, #tpu.memory_space<vmem_shared>>
      %dma_wait3A_107 = arith.constant 0 : i32
      %dma_wait3A_108 = arith.constant 0 : i32
      %dma_wait3A_109 = tpu.memref_slice %arg5[%dma_wait3A_107, %dma_wait3A_108] : memref<128x16xf32, #tpu.memory_space<hbm>> -> memref<128x16xf32, #tpu.memory_space<hbm>>
      tpu.wait_dma2 semaphore(%run_scoped3A : memref<!tpu.dma_semaphore, #tpu.memory_space<semaphore_mem>>) src(%dma_wait3A_109 : memref<128x16xf32, #tpu.memory_space<hbm>>) dst(%dma_wait3A_106 : memref<128x16xf32, #tpu.memory_space<vmem_shared>>)
      tpu.yield
    }) : () -> ()
    %add3A_8 = arith.constant 512 : i32
    %add3A_9 = arith.addi %mul3A_0, %add3A_8 : i32
    "tpu.region"() ({
      %run_scoped3A = tpu.sem_alloc : memref<!tpu.dma_semaphore, #tpu.memory_space<semaphore_mem>>
      %dma_start3A_100 = arith.constant 0 : i32
      %dma_start3A_101 = tpu.memref_slice %arg10[%add3A_9, %dma_start3A_100] : memref<10112x16xf32, #tpu.memory_space<vmem_shared>> -> memref<120x16xf32, #tpu.memory_space<vmem_shared>>
      %dma_start3A_102 = arith.constant 0 : i32
      %dma_start3A_103 = arith.constant 0 : i32
      %dma_start3A_104 = tpu.memref_slice %arg5[%dma_start3A_102, %dma_start3A_103] : memref<128x16xf32, #tpu.memory_space<hbm>> -> memref<120x16xf32, #tpu.memory_space<hbm>>
      tpu.enqueue_dma source(%dma_start3A_104 : memref<120x16xf32, #tpu.memory_space<hbm>>) target(%dma_start3A_101 : memref<120x16xf32, #tpu.memory_space<vmem_shared>>) target_semaphore(%run_scoped3A : memref<!tpu.dma_semaphore, #tpu.memory_space<semaphore_mem>>)
      %dma_wait3A_105 = arith.constant 0 : i32
      %dma_wait3A_106 = tpu.memref_slice %arg10[%add3A_9, %dma_wait3A_105] : memref<10112x16xf32, #tpu.memory_space<vmem_shared>> -> memref<120x16xf32, #tpu.memory_space<vmem_shared>>
      %dma_wait3A_107 = arith.constant 0 : i32
      %dma_wait3A_108 = arith.constant 0 : i32
      %dma_wait3A_109 = tpu.memref_slice %arg5[%dma_wait3A_107, %dma_wait3A_108] : memref<128x16xf32, #tpu.memory_space<hbm>> -> memref<120x16xf32, #tpu.memory_space<hbm>>
      tpu.wait_dma2 semaphore(%run_scoped3A : memref<!tpu.dma_semaphore, #tpu.memory_space<semaphore_mem>>) src(%dma_wait3A_109 : memref<120x16xf32, #tpu.memory_space<hbm>>) dst(%dma_wait3A_106 : memref<120x16xf32, #tpu.memory_space<vmem_shared>>)
      tpu.yield
    }) : () -> ()
    %eq3A = arith.constant 0 : i32
    %eq3A_10 = arith.cmpi eq, %arg0, %eq3A : i32
    %convert_element_type3A = arith.extui %eq3A_10 : i1 to i32
    %cond3A = arith.constant 0 : i32
    %cond3A_11 = arith.cmpi ne, %convert_element_type3A, %cond3A : i32
    scf.if %cond3A_11 {
      %mul3A_100 = arith.constant 120 : i32
      %mul3A_101 = arith.muli %arg1, %mul3A_100 : i32
      "tpu.region"() ({
        %run_scoped3A = tpu.sem_alloc : memref<!tpu.dma_semaphore, #tpu.memory_space<semaphore_mem>>
        %dma_start3A_104 = arith.constant 0 : i32
        %dma_start3A_105 = arith.constant 0 : i32
        %dma_start3A_106 = tpu.memref_slice %arg7[%dma_start3A_104, %dma_start3A_105] : memref<120x128xi32, #tpu.memory_space<vmem>> -> memref<120x128xi32, #tpu.memory_space<vmem>>
        %dma_start3A_107 = arith.constant 0 : i32
        %dma_start3A_108 = tpu.memref_slice %arg3[%mul3A_101, %dma_start3A_107] : memref<2528x128xi32, #tpu.memory_space<hbm>> -> memref<120x128xi32, #tpu.memory_space<hbm>>
        %dma_start3A_109 = arith.constant 0 : i32
        %dma_start3A_110 = arith.constant 0 : i32
        %dma_start3A_111 = tpu.memref_slice %arg7[%dma_start3A_109, %dma_start3A_110] : memref<120x128xi32, #tpu.memory_space<vmem>> -> memref<120x128xi32, #tpu.memory_space<vmem>>
        %dma_start3A_112 = arith.constant 0 : i32
        %dma_start3A_113 = tpu.memref_slice %arg3[%mul3A_101, %dma_start3A_112] : memref<2528x128xi32, #tpu.memory_space<hbm>> -> memref<120x128xi32, #tpu.memory_space<hbm>>
        tpu.enqueue_dma source(%dma_start3A_113 : memref<120x128xi32, #tpu.memory_space<hbm>>) target(%dma_start3A_111 : memref<120x128xi32, #tpu.memory_space<vmem>>) target_semaphore(%run_scoped3A : memref<!tpu.dma_semaphore, #tpu.memory_space<semaphore_mem>>)
        %dma_wait3A_114 = arith.constant 0 : i32
        %dma_wait3A_115 = arith.constant 0 : i32
        %dma_wait3A_116 = tpu.memref_slice %arg7[%dma_wait3A_114, %dma_wait3A_115] : memref<120x128xi32, #tpu.memory_space<vmem>> -> memref<120x128xi32, #tpu.memory_space<vmem>>
        %dma_wait3A_117 = arith.constant 0 : i32
        %dma_wait3A_118 = tpu.memref_slice %arg3[%mul3A_101, %dma_wait3A_117] : memref<2528x128xi32, #tpu.memory_space<hbm>> -> memref<120x128xi32, #tpu.memory_space<hbm>>
        %dma_wait3A_119 = arith.constant 0 : i32
        %dma_wait3A_120 = arith.constant 0 : i32
        %dma_wait3A_121 = tpu.memref_slice %arg7[%dma_wait3A_119, %dma_wait3A_120] : memref<120x128xi32, #tpu.memory_space<vmem>> -> memref<120x128xi32, #tpu.memory_space<vmem>>
        %dma_wait3A_122 = arith.constant 0 : i32
        %dma_wait3A_123 = tpu.memref_slice %arg3[%mul3A_101, %dma_wait3A_122] : memref<2528x128xi32, #tpu.memory_space<hbm>> -> memref<120x128xi32, #tpu.memory_space<hbm>>
        tpu.wait_dma2 semaphore(%run_scoped3A : memref<!tpu.dma_semaphore, #tpu.memory_space<semaphore_mem>>) src(%dma_wait3A_123 : memref<120x128xi32, #tpu.memory_space<hbm>>) dst(%dma_wait3A_121 : memref<120x128xi32, #tpu.memory_space<vmem>>)
        tpu.yield
      }) : () -> ()
      %mul3A_102 = arith.constant 120 : i32
      %mul3A_103 = arith.muli %arg1, %mul3A_102 : i32
      "tpu.region"() ({
        %run_scoped3A = tpu.sem_alloc : memref<!tpu.dma_semaphore, #tpu.memory_space<semaphore_mem>>
        %dma_start3A_104 = arith.constant 0 : i32
        %dma_start3A_105 = arith.constant 0 : i32
        %dma_start3A_106 = tpu.memref_slice %arg8[%dma_start3A_104, %dma_start3A_105] : memref<120x128xi32, #tpu.memory_space<vmem>> -> memref<120x128xi32, #tpu.memory_space<vmem>>
        %dma_start3A_107 = arith.constant 0 : i32
        %dma_start3A_108 = tpu.memref_slice %arg4[%mul3A_103, %dma_start3A_107] : memref<2528x128xi32, #tpu.memory_space<hbm>> -> memref<120x128xi32, #tpu.memory_space<hbm>>
        %dma_start3A_109 = arith.constant 0 : i32
        %dma_start3A_110 = arith.constant 0 : i32
        %dma_start3A_111 = tpu.memref_slice %arg8[%dma_start3A_109, %dma_start3A_110] : memref<120x128xi32, #tpu.memory_space<vmem>> -> memref<120x128xi32, #tpu.memory_space<vmem>>
        %dma_start3A_112 = arith.constant 0 : i32
        %dma_start3A_113 = tpu.memref_slice %arg4[%mul3A_103, %dma_start3A_112] : memref<2528x128xi32, #tpu.memory_space<hbm>> -> memref<120x128xi32, #tpu.memory_space<hbm>>
        tpu.enqueue_dma source(%dma_start3A_113 : memref<120x128xi32, #tpu.memory_space<hbm>>) target(%dma_start3A_111 : memref<120x128xi32, #tpu.memory_space<vmem>>) target_semaphore(%run_scoped3A : memref<!tpu.dma_semaphore, #tpu.memory_space<semaphore_mem>>)
        %dma_wait3A_114 = arith.constant 0 : i32
        %dma_wait3A_115 = arith.constant 0 : i32
        %dma_wait3A_116 = tpu.memref_slice %arg8[%dma_wait3A_114, %dma_wait3A_115] : memref<120x128xi32, #tpu.memory_space<vmem>> -> memref<120x128xi32, #tpu.memory_space<vmem>>
        %dma_wait3A_117 = arith.constant 0 : i32
        %dma_wait3A_118 = tpu.memref_slice %arg4[%mul3A_103, %dma_wait3A_117] : memref<2528x128xi32, #tpu.memory_space<hbm>> -> memref<120x128xi32, #tpu.memory_space<hbm>>
        %dma_wait3A_119 = arith.constant 0 : i32
        %dma_wait3A_120 = arith.constant 0 : i32
        %dma_wait3A_121 = tpu.memref_slice %arg8[%dma_wait3A_119, %dma_wait3A_120] : memref<120x128xi32, #tpu.memory_space<vmem>> -> memref<120x128xi32, #tpu.memory_space<vmem>>
        %dma_wait3A_122 = arith.constant 0 : i32
        %dma_wait3A_123 = tpu.memref_slice %arg4[%mul3A_103, %dma_wait3A_122] : memref<2528x128xi32, #tpu.memory_space<hbm>> -> memref<120x128xi32, #tpu.memory_space<hbm>>
        tpu.wait_dma2 semaphore(%run_scoped3A : memref<!tpu.dma_semaphore, #tpu.memory_space<semaphore_mem>>) src(%dma_wait3A_123 : memref<120x128xi32, #tpu.memory_space<hbm>>) dst(%dma_wait3A_121 : memref<120x128xi32, #tpu.memory_space<vmem>>)
        tpu.yield
      }) : () -> ()
    } else {
    }
    %eq3A_12 = arith.constant 1 : i32
    %eq3A_13 = arith.cmpi eq, %arg0, %eq3A_12 : i32
    %convert_element_type3A_14 = arith.extui %eq3A_13 : i1 to i32
    %cond3A_15 = arith.constant 0 : i32
    %cond3A_16 = arith.cmpi ne, %convert_element_type3A_14, %cond3A_15 : i32
    scf.if %cond3A_16 {
      %mul3A_100 = arith.constant 38 : i32
      %mul3A_101 = arith.muli %arg1, %mul3A_100 : i32
      %add3A_102 = arith.constant 1920 : i32
      %add3A_103 = arith.addi %add3A_102, %mul3A_101 : i32
      "tpu.region"() ({
        %run_scoped3A = tpu.sem_alloc : memref<!tpu.dma_semaphore, #tpu.memory_space<semaphore_mem>>
        %dma_start3A_108 = arith.constant 0 : i32
        %dma_start3A_109 = arith.constant 0 : i32
        %dma_start3A_110 = tpu.memref_slice %arg7[%dma_start3A_108, %dma_start3A_109] : memref<120x128xi32, #tpu.memory_space<vmem>> -> memref<38x128xi32, #tpu.memory_space<vmem>>
        %dma_start3A_111 = arith.constant 0 : i32
        %dma_start3A_112 = tpu.memref_slice %arg3[%add3A_103, %dma_start3A_111] : memref<2528x128xi32, #tpu.memory_space<hbm>> -> memref<38x128xi32, #tpu.memory_space<hbm>>
        %dma_start3A_113 = arith.constant 0 : i32
        %dma_start3A_114 = arith.constant 0 : i32
        %dma_start3A_115 = tpu.memref_slice %arg7[%dma_start3A_113, %dma_start3A_114] : memref<120x128xi32, #tpu.memory_space<vmem>> -> memref<38x128xi32, #tpu.memory_space<vmem>>
        %dma_start3A_116 = arith.constant 0 : i32
        %dma_start3A_117 = tpu.memref_slice %arg3[%add3A_103, %dma_start3A_116] : memref<2528x128xi32, #tpu.memory_space<hbm>> -> memref<38x128xi32, #tpu.memory_space<hbm>>
        tpu.enqueue_dma source(%dma_start3A_117 : memref<38x128xi32, #tpu.memory_space<hbm>>) target(%dma_start3A_115 : memref<38x128xi32, #tpu.memory_space<vmem>>) target_semaphore(%run_scoped3A : memref<!tpu.dma_semaphore, #tpu.memory_space<semaphore_mem>>)
        %dma_wait3A_118 = arith.constant 0 : i32
        %dma_wait3A_119 = arith.constant 0 : i32
        %dma_wait3A_120 = tpu.memref_slice %arg7[%dma_wait3A_118, %dma_wait3A_119] : memref<120x128xi32, #tpu.memory_space<vmem>> -> memref<38x128xi32, #tpu.memory_space<vmem>>
        %dma_wait3A_121 = arith.constant 0 : i32
        %dma_wait3A_122 = tpu.memref_slice %arg3[%add3A_103, %dma_wait3A_121] : memref<2528x128xi32, #tpu.memory_space<hbm>> -> memref<38x128xi32, #tpu.memory_space<hbm>>
        %dma_wait3A_123 = arith.constant 0 : i32
        %dma_wait3A_124 = arith.constant 0 : i32
        %dma_wait3A_125 = tpu.memref_slice %arg7[%dma_wait3A_123, %dma_wait3A_124] : memref<120x128xi32, #tpu.memory_space<vmem>> -> memref<38x128xi32, #tpu.memory_space<vmem>>
        %dma_wait3A_126 = arith.constant 0 : i32
        %dma_wait3A_127 = tpu.memref_slice %arg3[%add3A_103, %dma_wait3A_126] : memref<2528x128xi32, #tpu.memory_space<hbm>> -> memref<38x128xi32, #tpu.memory_space<hbm>>
        tpu.wait_dma2 semaphore(%run_scoped3A : memref<!tpu.dma_semaphore, #tpu.memory_space<semaphore_mem>>) src(%dma_wait3A_127 : memref<38x128xi32, #tpu.memory_space<hbm>>) dst(%dma_wait3A_125 : memref<38x128xi32, #tpu.memory_space<vmem>>)
        tpu.yield
      }) : () -> ()
      %mul3A_104 = arith.constant 38 : i32
      %mul3A_105 = arith.muli %arg1, %mul3A_104 : i32
      %add3A_106 = arith.constant 1920 : i32
      %add3A_107 = arith.addi %add3A_106, %mul3A_105 : i32
      "tpu.region"() ({
        %run_scoped3A = tpu.sem_alloc : memref<!tpu.dma_semaphore, #tpu.memory_space<semaphore_mem>>
        %dma_start3A_108 = arith.constant 0 : i32
        %dma_start3A_109 = arith.constant 0 : i32
        %dma_start3A_110 = tpu.memref_slice %arg8[%dma_start3A_108, %dma_start3A_109] : memref<120x128xi32, #tpu.memory_space<vmem>> -> memref<38x128xi32, #tpu.memory_space<vmem>>
        %dma_start3A_111 = arith.constant 0 : i32
        %dma_start3A_112 = tpu.memref_slice %arg4[%add3A_107, %dma_start3A_111] : memref<2528x128xi32, #tpu.memory_space<hbm>> -> memref<38x128xi32, #tpu.memory_space<hbm>>
        %dma_start3A_113 = arith.constant 0 : i32
        %dma_start3A_114 = arith.constant 0 : i32
        %dma_start3A_115 = tpu.memref_slice %arg8[%dma_start3A_113, %dma_start3A_114] : memref<120x128xi32, #tpu.memory_space<vmem>> -> memref<38x128xi32, #tpu.memory_space<vmem>>
        %dma_start3A_116 = arith.constant 0 : i32
        %dma_start3A_117 = tpu.memref_slice %arg4[%add3A_107, %dma_start3A_116] : memref<2528x128xi32, #tpu.memory_space<hbm>> -> memref<38x128xi32, #tpu.memory_space<hbm>>
        tpu.enqueue_dma source(%dma_start3A_117 : memref<38x128xi32, #tpu.memory_space<hbm>>) target(%dma_start3A_115 : memref<38x128xi32, #tpu.memory_space<vmem>>) target_semaphore(%run_scoped3A : memref<!tpu.dma_semaphore, #tpu.memory_space<semaphore_mem>>)
        %dma_wait3A_118 = arith.constant 0 : i32
        %dma_wait3A_119 = arith.constant 0 : i32
        %dma_wait3A_120 = tpu.memref_slice %arg8[%dma_wait3A_118, %dma_wait3A_119] : memref<120x128xi32, #tpu.memory_space<vmem>> -> memref<38x128xi32, #tpu.memory_space<vmem>>
        %dma_wait3A_121 = arith.constant 0 : i32
        %dma_wait3A_122 = tpu.memref_slice %arg4[%add3A_107, %dma_wait3A_121] : memref<2528x128xi32, #tpu.memory_space<hbm>> -> memref<38x128xi32, #tpu.memory_space<hbm>>
        %dma_wait3A_123 = arith.constant 0 : i32
        %dma_wait3A_124 = arith.constant 0 : i32
        %dma_wait3A_125 = tpu.memref_slice %arg8[%dma_wait3A_123, %dma_wait3A_124] : memref<120x128xi32, #tpu.memory_space<vmem>> -> memref<38x128xi32, #tpu.memory_space<vmem>>
        %dma_wait3A_126 = arith.constant 0 : i32
        %dma_wait3A_127 = tpu.memref_slice %arg4[%add3A_107, %dma_wait3A_126] : memref<2528x128xi32, #tpu.memory_space<hbm>> -> memref<38x128xi32, #tpu.memory_space<hbm>>
        tpu.wait_dma2 semaphore(%run_scoped3A : memref<!tpu.dma_semaphore, #tpu.memory_space<semaphore_mem>>) src(%dma_wait3A_127 : memref<38x128xi32, #tpu.memory_space<hbm>>) dst(%dma_wait3A_125 : memref<38x128xi32, #tpu.memory_space<vmem>>)
        tpu.yield
      }) : () -> ()
    } else {
    }
    %eq3A_17 = arith.constant 0 : i32
    %eq3A_18 = arith.cmpi eq, %arg0, %eq3A_17 : i32
    %jit3A = arith.constant 120 : i32
    %jit3A_19 = arith.constant 38 : i32
    %select_n3A = arith.select %eq3A_18, %jit3A, %jit3A_19 : i32
    %barrier3A = arith.constant 0 : index
    tpu.barrier barrier_id(%barrier3A)
    %rem3A = arith.constant 0 : i32
    %rem3A_20 = arith.constant 4 : i32
    %rem3A_21 = arith.remsi %rem3A, %rem3A_20 : i32
    %rem3A_22 = arith.constant 0 : i32
    %rem3A_23 = arith.constant 4 : i32
    %rem3A_24 = arith.remsi %rem3A_22, %rem3A_23 : i32
    %dma_start3A = arith.constant 0 : i32
    %dma_start3A_25 = arith.constant 0 : i32
    %dma_start3A_26 = arith.constant 0 : i32
    %dma_start3A_27 = tpu.memref_slice %arg9[%rem3A_21, %dma_start3A_25, %dma_start3A_26] : memref<4x128x16xf32, #tpu.memory_space<vmem>> -> memref<1x128x16xf32, #tpu.memory_space<vmem>>
    %dma_start3A_28 = tpu.memref_squeeze %dma_start3A_27 : memref<1x128x16xf32, #tpu.memory_space<vmem>> -> memref<128x16xf32, #tpu.memory_space<vmem>>
    %dma_start3A_29 = arith.constant 0 : i32
    %dma_start3A_30 = tpu.memref_slice %arg7[%dma_start3A, %dma_start3A_29] : memref<120x128xi32, #tpu.memory_space<vmem>> -> memref<1x128xi32, #tpu.memory_space<vmem>>
    %dma_start3A_31 = tpu.memref_squeeze %dma_start3A_30 : memref<1x128xi32, #tpu.memory_space<vmem>> -> memref<128xi32, #tpu.memory_space<vmem>>
    %dma_start3A_32 = arith.constant 0 : i32
    %dma_start3A_33 = arith.constant 0 : i32
    %dma_start3A_34 = tpu.memref_slice %arg2[%dma_start3A_32, %dma_start3A_33] : memref<10000x16xf32, #tpu.memory_space<hbm>> -> memref<10000x16xf32, #tpu.memory_space<hbm>>
    %dma_start3A_35 = tpu.memref_slice %arg11[%rem3A_24] : memref<4x!tpu.dma_semaphore, #tpu.memory_space<semaphore_mem>> -> memref<1x!tpu.dma_semaphore, #tpu.memory_space<semaphore_mem>>
    %dma_start3A_36 = tpu.memref_squeeze %dma_start3A_35 : memref<1x!tpu.dma_semaphore, #tpu.memory_space<semaphore_mem>> -> memref<!tpu.dma_semaphore, #tpu.memory_space<semaphore_mem>>
    tpu.enqueue_indirect_dma source(%dma_start3A_34 : memref<10000x16xf32, #tpu.memory_space<hbm>>) target(%dma_start3A_28 : memref<128x16xf32, #tpu.memory_space<vmem>>) offsets(%dma_start3A_31 : memref<128xi32, #tpu.memory_space<vmem>>) semaphore(%dma_start3A_36 : memref<!tpu.dma_semaphore, #tpu.memory_space<semaphore_mem>>)
    %rem3A_37 = arith.constant 1 : i32
    %rem3A_38 = arith.constant 4 : i32
    %rem3A_39 = arith.remsi %rem3A_37, %rem3A_38 : i32
    %rem3A_40 = arith.constant 1 : i32
    %rem3A_41 = arith.constant 4 : i32
    %rem3A_42 = arith.remsi %rem3A_40, %rem3A_41 : i32
    %dma_start3A_43 = arith.constant 1 : i32
    %dma_start3A_44 = arith.constant 0 : i32
    %dma_start3A_45 = arith.constant 0 : i32
    %dma_start3A_46 = tpu.memref_slice %arg9[%rem3A_39, %dma_start3A_44, %dma_start3A_45] : memref<4x128x16xf32, #tpu.memory_space<vmem>> -> memref<1x128x16xf32, #tpu.memory_space<vmem>>
    %dma_start3A_47 = tpu.memref_squeeze %dma_start3A_46 : memref<1x128x16xf32, #tpu.memory_space<vmem>> -> memref<128x16xf32, #tpu.memory_space<vmem>>
    %dma_start3A_48 = arith.constant 0 : i32
    %dma_start3A_49 = tpu.memref_slice %arg7[%dma_start3A_43, %dma_start3A_48] : memref<120x128xi32, #tpu.memory_space<vmem>> -> memref<1x128xi32, #tpu.memory_space<vmem>>
    %dma_start3A_50 = tpu.memref_squeeze %dma_start3A_49 : memref<1x128xi32, #tpu.memory_space<vmem>> -> memref<128xi32, #tpu.memory_space<vmem>>
    %dma_start3A_51 = arith.constant 0 : i32
    %dma_start3A_52 = arith.constant 0 : i32
    %dma_start3A_53 = tpu.memref_slice %arg2[%dma_start3A_51, %dma_start3A_52] : memref<10000x16xf32, #tpu.memory_space<hbm>> -> memref<10000x16xf32, #tpu.memory_space<hbm>>
    %dma_start3A_54 = tpu.memref_slice %arg11[%rem3A_42] : memref<4x!tpu.dma_semaphore, #tpu.memory_space<semaphore_mem>> -> memref<1x!tpu.dma_semaphore, #tpu.memory_space<semaphore_mem>>
    %dma_start3A_55 = tpu.memref_squeeze %dma_start3A_54 : memref<1x!tpu.dma_semaphore, #tpu.memory_space<semaphore_mem>> -> memref<!tpu.dma_semaphore, #tpu.memory_space<semaphore_mem>>
    tpu.enqueue_indirect_dma source(%dma_start3A_53 : memref<10000x16xf32, #tpu.memory_space<hbm>>) target(%dma_start3A_47 : memref<128x16xf32, #tpu.memory_space<vmem>>) offsets(%dma_start3A_50 : memref<128xi32, #tpu.memory_space<vmem>>) semaphore(%dma_start3A_55 : memref<!tpu.dma_semaphore, #tpu.memory_space<semaphore_mem>>)
    %while3A = arith.constant 0 : i32
    %while3A_56 = arith.constant 0 : i32
    %while3A_57 = arith.subi %select_n3A, %while3A_56 : i32
    %while3A_58 = arith.addi %while3A_56, %while3A_57 : i32
    %while3A_59 = arith.constant 1 : i32
    %while3A_60 = arith.divsi %while3A_57, %while3A_59 : i32
    %while3A_61 = arith.muli %while3A_60, %while3A_59 : i32
    %while3A_62 = arith.addi %while3A_56, %while3A_61 : i32
    %while3A_63 = arith.constant 1 : i32
    scf.for %while3A_100 = %while3A_56 to %while3A_62 step %while3A_63  : i32 {
      %rem3A_101 = arith.constant 4 : i32
      %rem3A_102 = arith.remsi %while3A_100, %rem3A_101 : i32
      %rem3A_103 = arith.constant 4 : i32
      %rem3A_104 = arith.remsi %while3A_100, %rem3A_103 : i32
      %dma_wait3A_105 = arith.constant 0 : i32
      %dma_wait3A_106 = arith.constant 0 : i32
      %dma_wait3A_107 = tpu.memref_slice %arg9[%rem3A_102, %dma_wait3A_105, %dma_wait3A_106] : memref<4x128x16xf32, #tpu.memory_space<vmem>> -> memref<1x128x16xf32, #tpu.memory_space<vmem>>
      %dma_wait3A_108 = tpu.memref_squeeze %dma_wait3A_107 : memref<1x128x16xf32, #tpu.memory_space<vmem>> -> memref<128x16xf32, #tpu.memory_space<vmem>>
      %dma_wait3A_109 = arith.constant 0 : i32
      %dma_wait3A_110 = tpu.memref_slice %arg7[%while3A_100, %dma_wait3A_109] : memref<120x128xi32, #tpu.memory_space<vmem>> -> memref<1x128xi32, #tpu.memory_space<vmem>>
      %dma_wait3A_111 = tpu.memref_squeeze %dma_wait3A_110 : memref<1x128xi32, #tpu.memory_space<vmem>> -> memref<128xi32, #tpu.memory_space<vmem>>
      %dma_wait3A_112 = arith.constant 0 : i32
      %dma_wait3A_113 = arith.constant 0 : i32
      %dma_wait3A_114 = tpu.memref_slice %arg2[%dma_wait3A_112, %dma_wait3A_113] : memref<10000x16xf32, #tpu.memory_space<hbm>> -> memref<10000x16xf32, #tpu.memory_space<hbm>>
      %dma_wait3A_115 = tpu.memref_slice %arg11[%rem3A_104] : memref<4x!tpu.dma_semaphore, #tpu.memory_space<semaphore_mem>> -> memref<1x!tpu.dma_semaphore, #tpu.memory_space<semaphore_mem>>
      %dma_wait3A_116 = tpu.memref_squeeze %dma_wait3A_115 : memref<1x!tpu.dma_semaphore, #tpu.memory_space<semaphore_mem>> -> memref<!tpu.dma_semaphore, #tpu.memory_space<semaphore_mem>>
      tpu.wait_indirect_dma semaphore(%dma_wait3A_116 : memref<!tpu.dma_semaphore, #tpu.memory_space<semaphore_mem>>) src(%dma_wait3A_114 : memref<10000x16xf32, #tpu.memory_space<hbm>>) dst(%dma_wait3A_108 : memref<128x16xf32, #tpu.memory_space<vmem>>)
      %rem3A_117 = arith.constant 4 : i32
      %rem3A_118 = arith.remsi %while3A_100, %rem3A_117 : i32
      %rem3A_119 = arith.constant 4 : i32
      %rem3A_120 = arith.remsi %while3A_100, %rem3A_119 : i32
      %dma_start3A_121 = arith.constant 0 : i32
      %dma_start3A_122 = arith.constant 0 : i32
      %dma_start3A_123 = tpu.memref_slice %arg9[%rem3A_118, %dma_start3A_121, %dma_start3A_122] : memref<4x128x16xf32, #tpu.memory_space<vmem>> -> memref<1x128x16xf32, #tpu.memory_space<vmem>>
      %dma_start3A_124 = tpu.memref_squeeze %dma_start3A_123 : memref<1x128x16xf32, #tpu.memory_space<vmem>> -> memref<128x16xf32, #tpu.memory_space<vmem>>
      %dma_start3A_125 = arith.constant 0 : i32
      %dma_start3A_126 = tpu.memref_slice %arg8[%while3A_100, %dma_start3A_125] : memref<120x128xi32, #tpu.memory_space<vmem>> -> memref<1x128xi32, #tpu.memory_space<vmem>>
      %dma_start3A_127 = tpu.memref_squeeze %dma_start3A_126 : memref<1x128xi32, #tpu.memory_space<vmem>> -> memref<128xi32, #tpu.memory_space<vmem>>
      %dma_start3A_128 = arith.constant 0 : i32
      %dma_start3A_129 = arith.constant 0 : i32
      %dma_start3A_130 = tpu.memref_slice %arg10[%dma_start3A_128, %dma_start3A_129] : memref<10112x16xf32, #tpu.memory_space<vmem_shared>> -> memref<10112x16xf32, #tpu.memory_space<vmem_shared>>
      %dma_start3A_131 = tpu.memref_slice %arg12[%rem3A_120] : memref<4x!tpu.dma_semaphore, #tpu.memory_space<semaphore_mem>> -> memref<1x!tpu.dma_semaphore, #tpu.memory_space<semaphore_mem>>
      %dma_start3A_132 = tpu.memref_squeeze %dma_start3A_131 : memref<1x!tpu.dma_semaphore, #tpu.memory_space<semaphore_mem>> -> memref<!tpu.dma_semaphore, #tpu.memory_space<semaphore_mem>>
      tpu.enqueue_indirect_dma source(%dma_start3A_124 : memref<128x16xf32, #tpu.memory_space<vmem>>) target(%dma_start3A_130 : memref<10112x16xf32, #tpu.memory_space<vmem_shared>>) offsets(%dma_start3A_127 : memref<128xi32, #tpu.memory_space<vmem>>) semaphore(%dma_start3A_132 : memref<!tpu.dma_semaphore, #tpu.memory_space<semaphore_mem>>) {add = true}
      %ge3A = arith.constant 2 : i32
      %ge3A_133 = arith.cmpi sge, %while3A_100, %ge3A : i32
      %convert_element_type3A_134 = arith.extui %ge3A_133 : i1 to i32
      %cond3A_135 = arith.constant 0 : i32
      %cond3A_136 = arith.cmpi ne, %convert_element_type3A_134, %cond3A_135 : i32
      scf.if %cond3A_136 {
        %sub3A_142 = arith.constant 2 : i32
        %sub3A_143 = arith.subi %while3A_100, %sub3A_142 : i32
        %rem3A_144 = arith.constant 4 : i32
        %rem3A_145 = arith.remsi %sub3A_143, %rem3A_144 : i32
        %rem3A_146 = arith.constant 4 : i32
        %rem3A_147 = arith.remsi %sub3A_143, %rem3A_146 : i32
        %dma_wait3A_148 = arith.constant 0 : i32
        %dma_wait3A_149 = arith.constant 0 : i32
        %dma_wait3A_150 = tpu.memref_slice %arg9[%rem3A_145, %dma_wait3A_148, %dma_wait3A_149] : memref<4x128x16xf32, #tpu.memory_space<vmem>> -> memref<1x128x16xf32, #tpu.memory_space<vmem>>
        %dma_wait3A_151 = tpu.memref_squeeze %dma_wait3A_150 : memref<1x128x16xf32, #tpu.memory_space<vmem>> -> memref<128x16xf32, #tpu.memory_space<vmem>>
        %dma_wait3A_152 = arith.constant 0 : i32
        %dma_wait3A_153 = tpu.memref_slice %arg8[%sub3A_143, %dma_wait3A_152] : memref<120x128xi32, #tpu.memory_space<vmem>> -> memref<1x128xi32, #tpu.memory_space<vmem>>
        %dma_wait3A_154 = tpu.memref_squeeze %dma_wait3A_153 : memref<1x128xi32, #tpu.memory_space<vmem>> -> memref<128xi32, #tpu.memory_space<vmem>>
        %dma_wait3A_155 = arith.constant 0 : i32
        %dma_wait3A_156 = arith.constant 0 : i32
        %dma_wait3A_157 = tpu.memref_slice %arg10[%dma_wait3A_155, %dma_wait3A_156] : memref<10112x16xf32, #tpu.memory_space<vmem_shared>> -> memref<10112x16xf32, #tpu.memory_space<vmem_shared>>
        %dma_wait3A_158 = tpu.memref_slice %arg12[%rem3A_147] : memref<4x!tpu.dma_semaphore, #tpu.memory_space<semaphore_mem>> -> memref<1x!tpu.dma_semaphore, #tpu.memory_space<semaphore_mem>>
        %dma_wait3A_159 = tpu.memref_squeeze %dma_wait3A_158 : memref<1x!tpu.dma_semaphore, #tpu.memory_space<semaphore_mem>> -> memref<!tpu.dma_semaphore, #tpu.memory_space<semaphore_mem>>
        tpu.wait_indirect_dma semaphore(%dma_wait3A_159 : memref<!tpu.dma_semaphore, #tpu.memory_space<semaphore_mem>>) src(%dma_wait3A_151 : memref<128x16xf32, #tpu.memory_space<vmem>>) dst(%dma_wait3A_157 : memref<10112x16xf32, #tpu.memory_space<vmem_shared>>)
      } else {
      }
      %add3A_137 = arith.constant 2 : i32
      %add3A_138 = arith.addi %while3A_100, %add3A_137 : i32
      %lt3A = arith.cmpi slt, %add3A_138, %select_n3A : i32
      %convert_element_type3A_139 = arith.extui %lt3A : i1 to i32
      %cond3A_140 = arith.constant 0 : i32
      %cond3A_141 = arith.cmpi ne, %convert_element_type3A_139, %cond3A_140 : i32
      scf.if %cond3A_141 {
        %add3A_142 = arith.constant 2 : i32
        %add3A_143 = arith.addi %while3A_100, %add3A_142 : i32
        %rem3A_144 = arith.constant 4 : i32
        %rem3A_145 = arith.remsi %add3A_143, %rem3A_144 : i32
        %rem3A_146 = arith.constant 4 : i32
        %rem3A_147 = arith.remsi %add3A_143, %rem3A_146 : i32
        %dma_start3A_148 = arith.constant 0 : i32
        %dma_start3A_149 = arith.constant 0 : i32
        %dma_start3A_150 = tpu.memref_slice %arg9[%rem3A_145, %dma_start3A_148, %dma_start3A_149] : memref<4x128x16xf32, #tpu.memory_space<vmem>> -> memref<1x128x16xf32, #tpu.memory_space<vmem>>
        %dma_start3A_151 = tpu.memref_squeeze %dma_start3A_150 : memref<1x128x16xf32, #tpu.memory_space<vmem>> -> memref<128x16xf32, #tpu.memory_space<vmem>>
        %dma_start3A_152 = arith.constant 0 : i32
        %dma_start3A_153 = tpu.memref_slice %arg7[%add3A_143, %dma_start3A_152] : memref<120x128xi32, #tpu.memory_space<vmem>> -> memref<1x128xi32, #tpu.memory_space<vmem>>
        %dma_start3A_154 = tpu.memref_squeeze %dma_start3A_153 : memref<1x128xi32, #tpu.memory_space<vmem>> -> memref<128xi32, #tpu.memory_space<vmem>>
        %dma_start3A_155 = arith.constant 0 : i32
        %dma_start3A_156 = arith.constant 0 : i32
        %dma_start3A_157 = tpu.memref_slice %arg2[%dma_start3A_155, %dma_start3A_156] : memref<10000x16xf32, #tpu.memory_space<hbm>> -> memref<10000x16xf32, #tpu.memory_space<hbm>>
        %dma_start3A_158 = tpu.memref_slice %arg11[%rem3A_147] : memref<4x!tpu.dma_semaphore, #tpu.memory_space<semaphore_mem>> -> memref<1x!tpu.dma_semaphore, #tpu.memory_space<semaphore_mem>>
        %dma_start3A_159 = tpu.memref_squeeze %dma_start3A_158 : memref<1x!tpu.dma_semaphore, #tpu.memory_space<semaphore_mem>> -> memref<!tpu.dma_semaphore, #tpu.memory_space<semaphore_mem>>
        tpu.enqueue_indirect_dma source(%dma_start3A_157 : memref<10000x16xf32, #tpu.memory_space<hbm>>) target(%dma_start3A_151 : memref<128x16xf32, #tpu.memory_space<vmem>>) offsets(%dma_start3A_154 : memref<128xi32, #tpu.memory_space<vmem>>) semaphore(%dma_start3A_159 : memref<!tpu.dma_semaphore, #tpu.memory_space<semaphore_mem>>)
      } else {
      }
    }
    %while3A_64 = arith.constant 1 : i32
    scf.for %while3A_100 = %while3A_62 to %while3A_58 step %while3A_64  : i32 {
      %rem3A_101 = arith.constant 4 : i32
      %rem3A_102 = arith.remsi %while3A_100, %rem3A_101 : i32
      %rem3A_103 = arith.constant 4 : i32
      %rem3A_104 = arith.remsi %while3A_100, %rem3A_103 : i32
      %dma_wait3A_105 = arith.constant 0 : i32
      %dma_wait3A_106 = arith.constant 0 : i32
      %dma_wait3A_107 = tpu.memref_slice %arg9[%rem3A_102, %dma_wait3A_105, %dma_wait3A_106] : memref<4x128x16xf32, #tpu.memory_space<vmem>> -> memref<1x128x16xf32, #tpu.memory_space<vmem>>
      %dma_wait3A_108 = tpu.memref_squeeze %dma_wait3A_107 : memref<1x128x16xf32, #tpu.memory_space<vmem>> -> memref<128x16xf32, #tpu.memory_space<vmem>>
      %dma_wait3A_109 = arith.constant 0 : i32
      %dma_wait3A_110 = tpu.memref_slice %arg7[%while3A_100, %dma_wait3A_109] : memref<120x128xi32, #tpu.memory_space<vmem>> -> memref<1x128xi32, #tpu.memory_space<vmem>>
      %dma_wait3A_111 = tpu.memref_squeeze %dma_wait3A_110 : memref<1x128xi32, #tpu.memory_space<vmem>> -> memref<128xi32, #tpu.memory_space<vmem>>
      %dma_wait3A_112 = arith.constant 0 : i32
      %dma_wait3A_113 = arith.constant 0 : i32
      %dma_wait3A_114 = tpu.memref_slice %arg2[%dma_wait3A_112, %dma_wait3A_113] : memref<10000x16xf32, #tpu.memory_space<hbm>> -> memref<10000x16xf32, #tpu.memory_space<hbm>>
      %dma_wait3A_115 = tpu.memref_slice %arg11[%rem3A_104] : memref<4x!tpu.dma_semaphore, #tpu.memory_space<semaphore_mem>> -> memref<1x!tpu.dma_semaphore, #tpu.memory_space<semaphore_mem>>
      %dma_wait3A_116 = tpu.memref_squeeze %dma_wait3A_115 : memref<1x!tpu.dma_semaphore, #tpu.memory_space<semaphore_mem>> -> memref<!tpu.dma_semaphore, #tpu.memory_space<semaphore_mem>>
      tpu.wait_indirect_dma semaphore(%dma_wait3A_116 : memref<!tpu.dma_semaphore, #tpu.memory_space<semaphore_mem>>) src(%dma_wait3A_114 : memref<10000x16xf32, #tpu.memory_space<hbm>>) dst(%dma_wait3A_108 : memref<128x16xf32, #tpu.memory_space<vmem>>)
      %rem3A_117 = arith.constant 4 : i32
      %rem3A_118 = arith.remsi %while3A_100, %rem3A_117 : i32
      %rem3A_119 = arith.constant 4 : i32
      %rem3A_120 = arith.remsi %while3A_100, %rem3A_119 : i32
      %dma_start3A_121 = arith.constant 0 : i32
      %dma_start3A_122 = arith.constant 0 : i32
      %dma_start3A_123 = tpu.memref_slice %arg9[%rem3A_118, %dma_start3A_121, %dma_start3A_122] : memref<4x128x16xf32, #tpu.memory_space<vmem>> -> memref<1x128x16xf32, #tpu.memory_space<vmem>>
      %dma_start3A_124 = tpu.memref_squeeze %dma_start3A_123 : memref<1x128x16xf32, #tpu.memory_space<vmem>> -> memref<128x16xf32, #tpu.memory_space<vmem>>
      %dma_start3A_125 = arith.constant 0 : i32
      %dma_start3A_126 = tpu.memref_slice %arg8[%while3A_100, %dma_start3A_125] : memref<120x128xi32, #tpu.memory_space<vmem>> -> memref<1x128xi32, #tpu.memory_space<vmem>>
      %dma_start3A_127 = tpu.memref_squeeze %dma_start3A_126 : memref<1x128xi32, #tpu.memory_space<vmem>> -> memref<128xi32, #tpu.memory_space<vmem>>
      %dma_start3A_128 = arith.constant 0 : i32
      %dma_start3A_129 = arith.constant 0 : i32
      %dma_start3A_130 = tpu.memref_slice %arg10[%dma_start3A_128, %dma_start3A_129] : memref<10112x16xf32, #tpu.memory_space<vmem_shared>> -> memref<10112x16xf32, #tpu.memory_space<vmem_shared>>
      %dma_start3A_131 = tpu.memref_slice %arg12[%rem3A_120] : memref<4x!tpu.dma_semaphore, #tpu.memory_space<semaphore_mem>> -> memref<1x!tpu.dma_semaphore, #tpu.memory_space<semaphore_mem>>
      %dma_start3A_132 = tpu.memref_squeeze %dma_start3A_131 : memref<1x!tpu.dma_semaphore, #tpu.memory_space<semaphore_mem>> -> memref<!tpu.dma_semaphore, #tpu.memory_space<semaphore_mem>>
      tpu.enqueue_indirect_dma source(%dma_start3A_124 : memref<128x16xf32, #tpu.memory_space<vmem>>) target(%dma_start3A_130 : memref<10112x16xf32, #tpu.memory_space<vmem_shared>>) offsets(%dma_start3A_127 : memref<128xi32, #tpu.memory_space<vmem>>) semaphore(%dma_start3A_132 : memref<!tpu.dma_semaphore, #tpu.memory_space<semaphore_mem>>) {add = true}
      %ge3A = arith.constant 2 : i32
      %ge3A_133 = arith.cmpi sge, %while3A_100, %ge3A : i32
      %convert_element_type3A_134 = arith.extui %ge3A_133 : i1 to i32
      %cond3A_135 = arith.constant 0 : i32
      %cond3A_136 = arith.cmpi ne, %convert_element_type3A_134, %cond3A_135 : i32
      scf.if %cond3A_136 {
        %sub3A_142 = arith.constant 2 : i32
        %sub3A_143 = arith.subi %while3A_100, %sub3A_142 : i32
        %rem3A_144 = arith.constant 4 : i32
        %rem3A_145 = arith.remsi %sub3A_143, %rem3A_144 : i32
        %rem3A_146 = arith.constant 4 : i32
        %rem3A_147 = arith.remsi %sub3A_143, %rem3A_146 : i32
        %dma_wait3A_148 = arith.constant 0 : i32
        %dma_wait3A_149 = arith.constant 0 : i32
        %dma_wait3A_150 = tpu.memref_slice %arg9[%rem3A_145, %dma_wait3A_148, %dma_wait3A_149] : memref<4x128x16xf32, #tpu.memory_space<vmem>> -> memref<1x128x16xf32, #tpu.memory_space<vmem>>
        %dma_wait3A_151 = tpu.memref_squeeze %dma_wait3A_150 : memref<1x128x16xf32, #tpu.memory_space<vmem>> -> memref<128x16xf32, #tpu.memory_space<vmem>>
        %dma_wait3A_152 = arith.constant 0 : i32
        %dma_wait3A_153 = tpu.memref_slice %arg8[%sub3A_143, %dma_wait3A_152] : memref<120x128xi32, #tpu.memory_space<vmem>> -> memref<1x128xi32, #tpu.memory_space<vmem>>
        %dma_wait3A_154 = tpu.memref_squeeze %dma_wait3A_153 : memref<1x128xi32, #tpu.memory_space<vmem>> -> memref<128xi32, #tpu.memory_space<vmem>>
        %dma_wait3A_155 = arith.constant 0 : i32
        %dma_wait3A_156 = arith.constant 0 : i32
        %dma_wait3A_157 = tpu.memref_slice %arg10[%dma_wait3A_155, %dma_wait3A_156] : memref<10112x16xf32, #tpu.memory_space<vmem_shared>> -> memref<10112x16xf32, #tpu.memory_space<vmem_shared>>
        %dma_wait3A_158 = tpu.memref_slice %arg12[%rem3A_147] : memref<4x!tpu.dma_semaphore, #tpu.memory_space<semaphore_mem>> -> memref<1x!tpu.dma_semaphore, #tpu.memory_space<semaphore_mem>>
        %dma_wait3A_159 = tpu.memref_squeeze %dma_wait3A_158 : memref<1x!tpu.dma_semaphore, #tpu.memory_space<semaphore_mem>> -> memref<!tpu.dma_semaphore, #tpu.memory_space<semaphore_mem>>
        tpu.wait_indirect_dma semaphore(%dma_wait3A_159 : memref<!tpu.dma_semaphore, #tpu.memory_space<semaphore_mem>>) src(%dma_wait3A_151 : memref<128x16xf32, #tpu.memory_space<vmem>>) dst(%dma_wait3A_157 : memref<10112x16xf32, #tpu.memory_space<vmem_shared>>)
      } else {
      }
      %add3A_137 = arith.constant 2 : i32
      %add3A_138 = arith.addi %while3A_100, %add3A_137 : i32
      %lt3A = arith.cmpi slt, %add3A_138, %select_n3A : i32
      %convert_element_type3A_139 = arith.extui %lt3A : i1 to i32
      %cond3A_140 = arith.constant 0 : i32
      %cond3A_141 = arith.cmpi ne, %convert_element_type3A_139, %cond3A_140 : i32
      scf.if %cond3A_141 {
        %add3A_142 = arith.constant 2 : i32
        %add3A_143 = arith.addi %while3A_100, %add3A_142 : i32
        %rem3A_144 = arith.constant 4 : i32
        %rem3A_145 = arith.remsi %add3A_143, %rem3A_144 : i32
        %rem3A_146 = arith.constant 4 : i32
        %rem3A_147 = arith.remsi %add3A_143, %rem3A_146 : i32
        %dma_start3A_148 = arith.constant 0 : i32
        %dma_start3A_149 = arith.constant 0 : i32
        %dma_start3A_150 = tpu.memref_slice %arg9[%rem3A_145, %dma_start3A_148, %dma_start3A_149] : memref<4x128x16xf32, #tpu.memory_space<vmem>> -> memref<1x128x16xf32, #tpu.memory_space<vmem>>
        %dma_start3A_151 = tpu.memref_squeeze %dma_start3A_150 : memref<1x128x16xf32, #tpu.memory_space<vmem>> -> memref<128x16xf32, #tpu.memory_space<vmem>>
        %dma_start3A_152 = arith.constant 0 : i32
        %dma_start3A_153 = tpu.memref_slice %arg7[%add3A_143, %dma_start3A_152] : memref<120x128xi32, #tpu.memory_space<vmem>> -> memref<1x128xi32, #tpu.memory_space<vmem>>
        %dma_start3A_154 = tpu.memref_squeeze %dma_start3A_153 : memref<1x128xi32, #tpu.memory_space<vmem>> -> memref<128xi32, #tpu.memory_space<vmem>>
        %dma_start3A_155 = arith.constant 0 : i32
        %dma_start3A_156 = arith.constant 0 : i32
        %dma_start3A_157 = tpu.memref_slice %arg2[%dma_start3A_155, %dma_start3A_156] : memref<10000x16xf32, #tpu.memory_space<hbm>> -> memref<10000x16xf32, #tpu.memory_space<hbm>>
        %dma_start3A_158 = tpu.memref_slice %arg11[%rem3A_147] : memref<4x!tpu.dma_semaphore, #tpu.memory_space<semaphore_mem>> -> memref<1x!tpu.dma_semaphore, #tpu.memory_space<semaphore_mem>>
        %dma_start3A_159 = tpu.memref_squeeze %dma_start3A_158 : memref<1x!tpu.dma_semaphore, #tpu.memory_space<semaphore_mem>> -> memref<!tpu.dma_semaphore, #tpu.memory_space<semaphore_mem>>
        tpu.enqueue_indirect_dma source(%dma_start3A_157 : memref<10000x16xf32, #tpu.memory_space<hbm>>) target(%dma_start3A_151 : memref<128x16xf32, #tpu.memory_space<vmem>>) offsets(%dma_start3A_154 : memref<128xi32, #tpu.memory_space<vmem>>) semaphore(%dma_start3A_159 : memref<!tpu.dma_semaphore, #tpu.memory_space<semaphore_mem>>)
      } else {
      }
    }
    %sub3A = arith.constant 2 : i32
    %sub3A_65 = arith.subi %select_n3A, %sub3A : i32
    %rem3A_66 = arith.constant 4 : i32
    %rem3A_67 = arith.remsi %sub3A_65, %rem3A_66 : i32
    %rem3A_68 = arith.constant 4 : i32
    %rem3A_69 = arith.remsi %sub3A_65, %rem3A_68 : i32
    %dma_wait3A = arith.constant 0 : i32
    %dma_wait3A_70 = arith.constant 0 : i32
    %dma_wait3A_71 = tpu.memref_slice %arg9[%rem3A_67, %dma_wait3A, %dma_wait3A_70] : memref<4x128x16xf32, #tpu.memory_space<vmem>> -> memref<1x128x16xf32, #tpu.memory_space<vmem>>
    %dma_wait3A_72 = tpu.memref_squeeze %dma_wait3A_71 : memref<1x128x16xf32, #tpu.memory_space<vmem>> -> memref<128x16xf32, #tpu.memory_space<vmem>>
    %dma_wait3A_73 = arith.constant 0 : i32
    %dma_wait3A_74 = tpu.memref_slice %arg8[%sub3A_65, %dma_wait3A_73] : memref<120x128xi32, #tpu.memory_space<vmem>> -> memref<1x128xi32, #tpu.memory_space<vmem>>
    %dma_wait3A_75 = tpu.memref_squeeze %dma_wait3A_74 : memref<1x128xi32, #tpu.memory_space<vmem>> -> memref<128xi32, #tpu.memory_space<vmem>>
    %dma_wait3A_76 = arith.constant 0 : i32
    %dma_wait3A_77 = arith.constant 0 : i32
    %dma_wait3A_78 = tpu.memref_slice %arg10[%dma_wait3A_76, %dma_wait3A_77] : memref<10112x16xf32, #tpu.memory_space<vmem_shared>> -> memref<10112x16xf32, #tpu.memory_space<vmem_shared>>
    %dma_wait3A_79 = tpu.memref_slice %arg12[%rem3A_69] : memref<4x!tpu.dma_semaphore, #tpu.memory_space<semaphore_mem>> -> memref<1x!tpu.dma_semaphore, #tpu.memory_space<semaphore_mem>>
    %dma_wait3A_80 = tpu.memref_squeeze %dma_wait3A_79 : memref<1x!tpu.dma_semaphore, #tpu.memory_space<semaphore_mem>> -> memref<!tpu.dma_semaphore, #tpu.memory_space<semaphore_mem>>
    tpu.wait_indirect_dma semaphore(%dma_wait3A_80 : memref<!tpu.dma_semaphore, #tpu.memory_space<semaphore_mem>>) src(%dma_wait3A_72 : memref<128x16xf32, #tpu.memory_space<vmem>>) dst(%dma_wait3A_78 : memref<10112x16xf32, #tpu.memory_space<vmem_shared>>)
    %sub3A_81 = arith.constant 1 : i32
    %sub3A_82 = arith.subi %select_n3A, %sub3A_81 : i32
    %rem3A_83 = arith.constant 4 : i32
    %rem3A_84 = arith.remsi %sub3A_82, %rem3A_83 : i32
    %rem3A_85 = arith.constant 4 : i32
    %rem3A_86 = arith.remsi %sub3A_82, %rem3A_85 : i32
    %dma_wait3A_87 = arith.constant 0 : i32
    %dma_wait3A_88 = arith.constant 0 : i32
    %dma_wait3A_89 = tpu.memref_slice %arg9[%rem3A_84, %dma_wait3A_87, %dma_wait3A_88] : memref<4x128x16xf32, #tpu.memory_space<vmem>> -> memref<1x128x16xf32, #tpu.memory_space<vmem>>
    %dma_wait3A_90 = tpu.memref_squeeze %dma_wait3A_89 : memref<1x128x16xf32, #tpu.memory_space<vmem>> -> memref<128x16xf32, #tpu.memory_space<vmem>>
    %dma_wait3A_91 = arith.constant 0 : i32
    %dma_wait3A_92 = tpu.memref_slice %arg8[%sub3A_82, %dma_wait3A_91] : memref<120x128xi32, #tpu.memory_space<vmem>> -> memref<1x128xi32, #tpu.memory_space<vmem>>
    %dma_wait3A_93 = tpu.memref_squeeze %dma_wait3A_92 : memref<1x128xi32, #tpu.memory_space<vmem>> -> memref<128xi32, #tpu.memory_space<vmem>>
    %dma_wait3A_94 = arith.constant 0 : i32
    %dma_wait3A_95 = arith.constant 0 : i32
    %dma_wait3A_96 = tpu.memref_slice %arg10[%dma_wait3A_94, %dma_wait3A_95] : memref<10112x16xf32, #tpu.memory_space<vmem_shared>> -> memref<10112x16xf32, #tpu.memory_space<vmem_shared>>
    %dma_wait3A_97 = tpu.memref_slice %arg12[%rem3A_86] : memref<4x!tpu.dma_semaphore, #tpu.memory_space<semaphore_mem>> -> memref<1x!tpu.dma_semaphore, #tpu.memory_space<semaphore_mem>>
    %dma_wait3A_98 = tpu.memref_squeeze %dma_wait3A_97 : memref<1x!tpu.dma_semaphore, #tpu.memory_space<semaphore_mem>> -> memref<!tpu.dma_semaphore, #tpu.memory_space<semaphore_mem>>
    tpu.wait_indirect_dma semaphore(%dma_wait3A_98 : memref<!tpu.dma_semaphore, #tpu.memory_space<semaphore_mem>>) src(%dma_wait3A_90 : memref<128x16xf32, #tpu.memory_space<vmem>>) dst(%dma_wait3A_96 : memref<10112x16xf32, #tpu.memory_space<vmem_shared>>)
    %barrier3A_99 = arith.constant 0 : index
    tpu.barrier barrier_id(%barrier3A_99)
    "tpu.region"() ({
      %run_scoped3A = tpu.sem_alloc : memref<!tpu.dma_semaphore, #tpu.memory_space<semaphore_mem>>
      %dma_start3A_100 = arith.constant 0 : i32
      %dma_start3A_101 = tpu.memref_slice %arg6[%arg0, %mul3A_0, %dma_start3A_100] : memref<2x10112x16xf32, #tpu.memory_space<hbm>> -> memref<1x632x16xf32, #tpu.memory_space<hbm>>
      %dma_start3A_102 = tpu.memref_squeeze %dma_start3A_101 : memref<1x632x16xf32, #tpu.memory_space<hbm>> -> memref<632x16xf32, #tpu.memory_space<hbm>>
      %dma_start3A_103 = arith.constant 0 : i32
      %dma_start3A_104 = tpu.memref_slice %arg10[%mul3A_0, %dma_start3A_103] : memref<10112x16xf32, #tpu.memory_space<vmem_shared>> -> memref<632x16xf32, #tpu.memory_space<vmem_shared>>
      tpu.enqueue_dma source(%dma_start3A_104 : memref<632x16xf32, #tpu.memory_space<vmem_shared>>) target(%dma_start3A_102 : memref<632x16xf32, #tpu.memory_space<hbm>>) target_semaphore(%run_scoped3A : memref<!tpu.dma_semaphore, #tpu.memory_space<semaphore_mem>>)
      %dma_wait3A_105 = arith.constant 0 : i32
      %dma_wait3A_106 = tpu.memref_slice %arg6[%arg0, %mul3A_0, %dma_wait3A_105] : memref<2x10112x16xf32, #tpu.memory_space<hbm>> -> memref<1x632x16xf32, #tpu.memory_space<hbm>>
      %dma_wait3A_107 = tpu.memref_squeeze %dma_wait3A_106 : memref<1x632x16xf32, #tpu.memory_space<hbm>> -> memref<632x16xf32, #tpu.memory_space<hbm>>
      %dma_wait3A_108 = arith.constant 0 : i32
      %dma_wait3A_109 = tpu.memref_slice %arg10[%mul3A_0, %dma_wait3A_108] : memref<10112x16xf32, #tpu.memory_space<vmem_shared>> -> memref<632x16xf32, #tpu.memory_space<vmem_shared>>
      tpu.wait_dma2 semaphore(%run_scoped3A : memref<!tpu.dma_semaphore, #tpu.memory_space<semaphore_mem>>) src(%dma_wait3A_109 : memref<632x16xf32, #tpu.memory_space<vmem_shared>>) dst(%dma_wait3A_107 : memref<632x16xf32, #tpu.memory_space<hbm>>)
      tpu.yield
    }) : () -> ()
    return
  }
}

#map = affine_map<(d0, d1) -> (0, 0)>
#map1 = affine_map<(d0, d1) -> (0, 0, 0)>
module attributes {stable_mosaic.version = 14 : i64} {
  func.func @agg1(%arg0: i32, %arg1: i32, %arg2: memref<10000x64xf32, #tpu.memory_space<hbm>>, %arg3: memref<2528x128xi32, #tpu.memory_space<hbm>>, %arg4: memref<2528x128xi32, #tpu.memory_space<hbm>>, %arg5: memref<128x64xf32, #tpu.memory_space<hbm>>, %arg6: memref<128x16xf32, #tpu.memory_space<hbm>>, %arg7: memref<128x16xf32, #tpu.memory_space<hbm>>, %arg8: memref<2x10112x64xf32, #tpu.memory_space<hbm>>, %arg9: memref<2x10112x16xf32, #tpu.memory_space<hbm>>, %arg10: memref<158x128xi32, #tpu.memory_space<vmem>>, %arg11: memref<158x128xi32, #tpu.memory_space<vmem>>, %arg12: memref<4x128x64xf32, #tpu.memory_space<vmem>>, %arg13: memref<128x16xf32, #tpu.memory_space<vmem>>, %arg14: memref<10112x64xf32, #tpu.memory_space<vmem_shared>>, %arg15: memref<10112x16xf32, #tpu.memory_space<vmem_shared>>, %arg16: memref<4x!tpu.dma_semaphore, #tpu.memory_space<semaphore_mem>>, %arg17: memref<4x!tpu.dma_semaphore, #tpu.memory_space<semaphore_mem>>, %arg18: memref<2x!tpu.dma_semaphore, #tpu.memory_space<semaphore_mem>>) attributes {dimension_semantics = [#tpu.dimension_semantics<core_parallel>, #tpu.dimension_semantics<subcore_parallel>], iteration_bounds = array<i64: 2, 16>, scalar_prefetch = 0 : i64, scratch_operands = 9 : i64, tpu.core_type = #tpu.core_type<sc_vector_subcore>, window_params = [{transform_indices = #map}, {transform_indices = #map}, {transform_indices = #map}, {transform_indices = #map}, {transform_indices = #map}, {transform_indices = #map}, {transform_indices = #map1}, {transform_indices = #map1}]} {
    %mul3A = arith.constant 632 : i32
    %mul3A_0 = arith.muli %arg1, %mul3A : i32
    %mul3A_1 = arith.constant 158 : i32
    %mul3A_2 = arith.muli %arg1, %mul3A_1 : i32
    %eq3A = arith.constant 0 : i32
    %eq3A_3 = arith.cmpi eq, %arg0, %eq3A : i32
    %convert_element_type3A = arith.extui %eq3A_3 : i1 to i32
    %cond3A = arith.constant 0 : i32
    %cond3A_4 = arith.cmpi ne, %convert_element_type3A, %cond3A : i32
    scf.if %cond3A_4 {
      %add3A = arith.constant 0 : i32
      %add3A_10 = arith.addi %mul3A_0, %add3A : i32
      "tpu.region"() ({
        %run_scoped3A = tpu.sem_alloc : memref<!tpu.dma_semaphore, #tpu.memory_space<semaphore_mem>>
        %dma_start3A_98 = arith.constant 0 : i32
        %dma_start3A_99 = tpu.memref_slice %arg14[%add3A_10, %dma_start3A_98] : memref<10112x64xf32, #tpu.memory_space<vmem_shared>> -> memref<128x64xf32, #tpu.memory_space<vmem_shared>>
        %dma_start3A_100 = arith.constant 0 : i32
        %dma_start3A_101 = arith.constant 0 : i32
        %dma_start3A_102 = tpu.memref_slice %arg5[%dma_start3A_100, %dma_start3A_101] : memref<128x64xf32, #tpu.memory_space<hbm>> -> memref<128x64xf32, #tpu.memory_space<hbm>>
        tpu.enqueue_dma source(%dma_start3A_102 : memref<128x64xf32, #tpu.memory_space<hbm>>) target(%dma_start3A_99 : memref<128x64xf32, #tpu.memory_space<vmem_shared>>) target_semaphore(%run_scoped3A : memref<!tpu.dma_semaphore, #tpu.memory_space<semaphore_mem>>)
        %dma_wait3A_103 = arith.constant 0 : i32
        %dma_wait3A_104 = tpu.memref_slice %arg14[%add3A_10, %dma_wait3A_103] : memref<10112x64xf32, #tpu.memory_space<vmem_shared>> -> memref<128x64xf32, #tpu.memory_space<vmem_shared>>
        %dma_wait3A_105 = arith.constant 0 : i32
        %dma_wait3A_106 = arith.constant 0 : i32
        %dma_wait3A_107 = tpu.memref_slice %arg5[%dma_wait3A_105, %dma_wait3A_106] : memref<128x64xf32, #tpu.memory_space<hbm>> -> memref<128x64xf32, #tpu.memory_space<hbm>>
        tpu.wait_dma2 semaphore(%run_scoped3A : memref<!tpu.dma_semaphore, #tpu.memory_space<semaphore_mem>>) src(%dma_wait3A_107 : memref<128x64xf32, #tpu.memory_space<hbm>>) dst(%dma_wait3A_104 : memref<128x64xf32, #tpu.memory_space<vmem_shared>>)
        tpu.yield
      }) : () -> ()
      %add3A_11 = arith.constant 128 : i32
      %add3A_12 = arith.addi %mul3A_0, %add3A_11 : i32
      "tpu.region"() ({
        %run_scoped3A = tpu.sem_alloc : memref<!tpu.dma_semaphore, #tpu.memory_space<semaphore_mem>>
        %dma_start3A_98 = arith.constant 0 : i32
        %dma_start3A_99 = tpu.memref_slice %arg14[%add3A_12, %dma_start3A_98] : memref<10112x64xf32, #tpu.memory_space<vmem_shared>> -> memref<128x64xf32, #tpu.memory_space<vmem_shared>>
        %dma_start3A_100 = arith.constant 0 : i32
        %dma_start3A_101 = arith.constant 0 : i32
        %dma_start3A_102 = tpu.memref_slice %arg5[%dma_start3A_100, %dma_start3A_101] : memref<128x64xf32, #tpu.memory_space<hbm>> -> memref<128x64xf32, #tpu.memory_space<hbm>>
        tpu.enqueue_dma source(%dma_start3A_102 : memref<128x64xf32, #tpu.memory_space<hbm>>) target(%dma_start3A_99 : memref<128x64xf32, #tpu.memory_space<vmem_shared>>) target_semaphore(%run_scoped3A : memref<!tpu.dma_semaphore, #tpu.memory_space<semaphore_mem>>)
        %dma_wait3A_103 = arith.constant 0 : i32
        %dma_wait3A_104 = tpu.memref_slice %arg14[%add3A_12, %dma_wait3A_103] : memref<10112x64xf32, #tpu.memory_space<vmem_shared>> -> memref<128x64xf32, #tpu.memory_space<vmem_shared>>
        %dma_wait3A_105 = arith.constant 0 : i32
        %dma_wait3A_106 = arith.constant 0 : i32
        %dma_wait3A_107 = tpu.memref_slice %arg5[%dma_wait3A_105, %dma_wait3A_106] : memref<128x64xf32, #tpu.memory_space<hbm>> -> memref<128x64xf32, #tpu.memory_space<hbm>>
        tpu.wait_dma2 semaphore(%run_scoped3A : memref<!tpu.dma_semaphore, #tpu.memory_space<semaphore_mem>>) src(%dma_wait3A_107 : memref<128x64xf32, #tpu.memory_space<hbm>>) dst(%dma_wait3A_104 : memref<128x64xf32, #tpu.memory_space<vmem_shared>>)
        tpu.yield
      }) : () -> ()
      %add3A_13 = arith.constant 256 : i32
      %add3A_14 = arith.addi %mul3A_0, %add3A_13 : i32
      "tpu.region"() ({
        %run_scoped3A = tpu.sem_alloc : memref<!tpu.dma_semaphore, #tpu.memory_space<semaphore_mem>>
        %dma_start3A_98 = arith.constant 0 : i32
        %dma_start3A_99 = tpu.memref_slice %arg14[%add3A_14, %dma_start3A_98] : memref<10112x64xf32, #tpu.memory_space<vmem_shared>> -> memref<128x64xf32, #tpu.memory_space<vmem_shared>>
        %dma_start3A_100 = arith.constant 0 : i32
        %dma_start3A_101 = arith.constant 0 : i32
        %dma_start3A_102 = tpu.memref_slice %arg5[%dma_start3A_100, %dma_start3A_101] : memref<128x64xf32, #tpu.memory_space<hbm>> -> memref<128x64xf32, #tpu.memory_space<hbm>>
        tpu.enqueue_dma source(%dma_start3A_102 : memref<128x64xf32, #tpu.memory_space<hbm>>) target(%dma_start3A_99 : memref<128x64xf32, #tpu.memory_space<vmem_shared>>) target_semaphore(%run_scoped3A : memref<!tpu.dma_semaphore, #tpu.memory_space<semaphore_mem>>)
        %dma_wait3A_103 = arith.constant 0 : i32
        %dma_wait3A_104 = tpu.memref_slice %arg14[%add3A_14, %dma_wait3A_103] : memref<10112x64xf32, #tpu.memory_space<vmem_shared>> -> memref<128x64xf32, #tpu.memory_space<vmem_shared>>
        %dma_wait3A_105 = arith.constant 0 : i32
        %dma_wait3A_106 = arith.constant 0 : i32
        %dma_wait3A_107 = tpu.memref_slice %arg5[%dma_wait3A_105, %dma_wait3A_106] : memref<128x64xf32, #tpu.memory_space<hbm>> -> memref<128x64xf32, #tpu.memory_space<hbm>>
        tpu.wait_dma2 semaphore(%run_scoped3A : memref<!tpu.dma_semaphore, #tpu.memory_space<semaphore_mem>>) src(%dma_wait3A_107 : memref<128x64xf32, #tpu.memory_space<hbm>>) dst(%dma_wait3A_104 : memref<128x64xf32, #tpu.memory_space<vmem_shared>>)
        tpu.yield
      }) : () -> ()
      %add3A_15 = arith.constant 384 : i32
      %add3A_16 = arith.addi %mul3A_0, %add3A_15 : i32
      "tpu.region"() ({
        %run_scoped3A = tpu.sem_alloc : memref<!tpu.dma_semaphore, #tpu.memory_space<semaphore_mem>>
        %dma_start3A_98 = arith.constant 0 : i32
        %dma_start3A_99 = tpu.memref_slice %arg14[%add3A_16, %dma_start3A_98] : memref<10112x64xf32, #tpu.memory_space<vmem_shared>> -> memref<128x64xf32, #tpu.memory_space<vmem_shared>>
        %dma_start3A_100 = arith.constant 0 : i32
        %dma_start3A_101 = arith.constant 0 : i32
        %dma_start3A_102 = tpu.memref_slice %arg5[%dma_start3A_100, %dma_start3A_101] : memref<128x64xf32, #tpu.memory_space<hbm>> -> memref<128x64xf32, #tpu.memory_space<hbm>>
        tpu.enqueue_dma source(%dma_start3A_102 : memref<128x64xf32, #tpu.memory_space<hbm>>) target(%dma_start3A_99 : memref<128x64xf32, #tpu.memory_space<vmem_shared>>) target_semaphore(%run_scoped3A : memref<!tpu.dma_semaphore, #tpu.memory_space<semaphore_mem>>)
        %dma_wait3A_103 = arith.constant 0 : i32
        %dma_wait3A_104 = tpu.memref_slice %arg14[%add3A_16, %dma_wait3A_103] : memref<10112x64xf32, #tpu.memory_space<vmem_shared>> -> memref<128x64xf32, #tpu.memory_space<vmem_shared>>
        %dma_wait3A_105 = arith.constant 0 : i32
        %dma_wait3A_106 = arith.constant 0 : i32
        %dma_wait3A_107 = tpu.memref_slice %arg5[%dma_wait3A_105, %dma_wait3A_106] : memref<128x64xf32, #tpu.memory_space<hbm>> -> memref<128x64xf32, #tpu.memory_space<hbm>>
        tpu.wait_dma2 semaphore(%run_scoped3A : memref<!tpu.dma_semaphore, #tpu.memory_space<semaphore_mem>>) src(%dma_wait3A_107 : memref<128x64xf32, #tpu.memory_space<hbm>>) dst(%dma_wait3A_104 : memref<128x64xf32, #tpu.memory_space<vmem_shared>>)
        tpu.yield
      }) : () -> ()
      %add3A_17 = arith.constant 512 : i32
      %add3A_18 = arith.addi %mul3A_0, %add3A_17 : i32
      "tpu.region"() ({
        %run_scoped3A = tpu.sem_alloc : memref<!tpu.dma_semaphore, #tpu.memory_space<semaphore_mem>>
        %dma_start3A_98 = arith.constant 0 : i32
        %dma_start3A_99 = tpu.memref_slice %arg14[%add3A_18, %dma_start3A_98] : memref<10112x64xf32, #tpu.memory_space<vmem_shared>> -> memref<120x64xf32, #tpu.memory_space<vmem_shared>>
        %dma_start3A_100 = arith.constant 0 : i32
        %dma_start3A_101 = arith.constant 0 : i32
        %dma_start3A_102 = tpu.memref_slice %arg5[%dma_start3A_100, %dma_start3A_101] : memref<128x64xf32, #tpu.memory_space<hbm>> -> memref<120x64xf32, #tpu.memory_space<hbm>>
        tpu.enqueue_dma source(%dma_start3A_102 : memref<120x64xf32, #tpu.memory_space<hbm>>) target(%dma_start3A_99 : memref<120x64xf32, #tpu.memory_space<vmem_shared>>) target_semaphore(%run_scoped3A : memref<!tpu.dma_semaphore, #tpu.memory_space<semaphore_mem>>)
        %dma_wait3A_103 = arith.constant 0 : i32
        %dma_wait3A_104 = tpu.memref_slice %arg14[%add3A_18, %dma_wait3A_103] : memref<10112x64xf32, #tpu.memory_space<vmem_shared>> -> memref<120x64xf32, #tpu.memory_space<vmem_shared>>
        %dma_wait3A_105 = arith.constant 0 : i32
        %dma_wait3A_106 = arith.constant 0 : i32
        %dma_wait3A_107 = tpu.memref_slice %arg5[%dma_wait3A_105, %dma_wait3A_106] : memref<128x64xf32, #tpu.memory_space<hbm>> -> memref<120x64xf32, #tpu.memory_space<hbm>>
        tpu.wait_dma2 semaphore(%run_scoped3A : memref<!tpu.dma_semaphore, #tpu.memory_space<semaphore_mem>>) src(%dma_wait3A_107 : memref<120x64xf32, #tpu.memory_space<hbm>>) dst(%dma_wait3A_104 : memref<120x64xf32, #tpu.memory_space<vmem_shared>>)
        tpu.yield
      }) : () -> ()
      "tpu.region"() ({
        %run_scoped3A = tpu.sem_alloc : memref<!tpu.dma_semaphore, #tpu.memory_space<semaphore_mem>>
        %dma_start3A_98 = arith.constant 0 : i32
        %dma_start3A_99 = tpu.memref_slice %arg3[%mul3A_2, %dma_start3A_98] : memref<2528x128xi32, #tpu.memory_space<hbm>> -> memref<158x128xi32, #tpu.memory_space<hbm>>
        %dma_start3A_100 = arith.constant 0 : i32
        %dma_start3A_101 = tpu.memref_slice %arg3[%mul3A_2, %dma_start3A_100] : memref<2528x128xi32, #tpu.memory_space<hbm>> -> memref<158x128xi32, #tpu.memory_space<hbm>>
        tpu.enqueue_dma source(%dma_start3A_101 : memref<158x128xi32, #tpu.memory_space<hbm>>) target(%arg10 : memref<158x128xi32, #tpu.memory_space<vmem>>) target_semaphore(%run_scoped3A : memref<!tpu.dma_semaphore, #tpu.memory_space<semaphore_mem>>)
        %dma_wait3A_102 = arith.constant 0 : i32
        %dma_wait3A_103 = tpu.memref_slice %arg3[%mul3A_2, %dma_wait3A_102] : memref<2528x128xi32, #tpu.memory_space<hbm>> -> memref<158x128xi32, #tpu.memory_space<hbm>>
        %dma_wait3A_104 = arith.constant 0 : i32
        %dma_wait3A_105 = tpu.memref_slice %arg3[%mul3A_2, %dma_wait3A_104] : memref<2528x128xi32, #tpu.memory_space<hbm>> -> memref<158x128xi32, #tpu.memory_space<hbm>>
        tpu.wait_dma2 semaphore(%run_scoped3A : memref<!tpu.dma_semaphore, #tpu.memory_space<semaphore_mem>>) src(%dma_wait3A_105 : memref<158x128xi32, #tpu.memory_space<hbm>>) dst(%arg10 : memref<158x128xi32, #tpu.memory_space<vmem>>)
        tpu.yield
      }) : () -> ()
      "tpu.region"() ({
        %run_scoped3A = tpu.sem_alloc : memref<!tpu.dma_semaphore, #tpu.memory_space<semaphore_mem>>
        %dma_start3A_98 = arith.constant 0 : i32
        %dma_start3A_99 = tpu.memref_slice %arg4[%mul3A_2, %dma_start3A_98] : memref<2528x128xi32, #tpu.memory_space<hbm>> -> memref<158x128xi32, #tpu.memory_space<hbm>>
        %dma_start3A_100 = arith.constant 0 : i32
        %dma_start3A_101 = tpu.memref_slice %arg4[%mul3A_2, %dma_start3A_100] : memref<2528x128xi32, #tpu.memory_space<hbm>> -> memref<158x128xi32, #tpu.memory_space<hbm>>
        tpu.enqueue_dma source(%dma_start3A_101 : memref<158x128xi32, #tpu.memory_space<hbm>>) target(%arg11 : memref<158x128xi32, #tpu.memory_space<vmem>>) target_semaphore(%run_scoped3A : memref<!tpu.dma_semaphore, #tpu.memory_space<semaphore_mem>>)
        %dma_wait3A_102 = arith.constant 0 : i32
        %dma_wait3A_103 = tpu.memref_slice %arg4[%mul3A_2, %dma_wait3A_102] : memref<2528x128xi32, #tpu.memory_space<hbm>> -> memref<158x128xi32, #tpu.memory_space<hbm>>
        %dma_wait3A_104 = arith.constant 0 : i32
        %dma_wait3A_105 = tpu.memref_slice %arg4[%mul3A_2, %dma_wait3A_104] : memref<2528x128xi32, #tpu.memory_space<hbm>> -> memref<158x128xi32, #tpu.memory_space<hbm>>
        tpu.wait_dma2 semaphore(%run_scoped3A : memref<!tpu.dma_semaphore, #tpu.memory_space<semaphore_mem>>) src(%dma_wait3A_105 : memref<158x128xi32, #tpu.memory_space<hbm>>) dst(%arg11 : memref<158x128xi32, #tpu.memory_space<vmem>>)
        tpu.yield
      }) : () -> ()
      %barrier3A = arith.constant 0 : index
      tpu.barrier barrier_id(%barrier3A)
      %rem3A = arith.constant 0 : i32
      %rem3A_19 = arith.constant 4 : i32
      %rem3A_20 = arith.remsi %rem3A, %rem3A_19 : i32
      %rem3A_21 = arith.constant 0 : i32
      %rem3A_22 = arith.constant 4 : i32
      %rem3A_23 = arith.remsi %rem3A_21, %rem3A_22 : i32
      %dma_start3A = arith.constant 0 : i32
      %dma_start3A_24 = arith.constant 0 : i32
      %dma_start3A_25 = arith.constant 0 : i32
      %dma_start3A_26 = tpu.memref_slice %arg12[%rem3A_20, %dma_start3A_24, %dma_start3A_25] : memref<4x128x64xf32, #tpu.memory_space<vmem>> -> memref<1x128x64xf32, #tpu.memory_space<vmem>>
      %dma_start3A_27 = tpu.memref_squeeze %dma_start3A_26 : memref<1x128x64xf32, #tpu.memory_space<vmem>> -> memref<128x64xf32, #tpu.memory_space<vmem>>
      %dma_start3A_28 = arith.constant 0 : i32
      %dma_start3A_29 = tpu.memref_slice %arg10[%dma_start3A, %dma_start3A_28] : memref<158x128xi32, #tpu.memory_space<vmem>> -> memref<1x128xi32, #tpu.memory_space<vmem>>
      %dma_start3A_30 = tpu.memref_squeeze %dma_start3A_29 : memref<1x128xi32, #tpu.memory_space<vmem>> -> memref<128xi32, #tpu.memory_space<vmem>>
      %dma_start3A_31 = arith.constant 0 : i32
      %dma_start3A_32 = arith.constant 0 : i32
      %dma_start3A_33 = tpu.memref_slice %arg2[%dma_start3A_31, %dma_start3A_32] : memref<10000x64xf32, #tpu.memory_space<hbm>> -> memref<10000x64xf32, #tpu.memory_space<hbm>>
      %dma_start3A_34 = tpu.memref_slice %arg16[%rem3A_23] : memref<4x!tpu.dma_semaphore, #tpu.memory_space<semaphore_mem>> -> memref<1x!tpu.dma_semaphore, #tpu.memory_space<semaphore_mem>>
      %dma_start3A_35 = tpu.memref_squeeze %dma_start3A_34 : memref<1x!tpu.dma_semaphore, #tpu.memory_space<semaphore_mem>> -> memref<!tpu.dma_semaphore, #tpu.memory_space<semaphore_mem>>
      tpu.enqueue_indirect_dma source(%dma_start3A_33 : memref<10000x64xf32, #tpu.memory_space<hbm>>) target(%dma_start3A_27 : memref<128x64xf32, #tpu.memory_space<vmem>>) offsets(%dma_start3A_30 : memref<128xi32, #tpu.memory_space<vmem>>) semaphore(%dma_start3A_35 : memref<!tpu.dma_semaphore, #tpu.memory_space<semaphore_mem>>)
      %rem3A_36 = arith.constant 1 : i32
      %rem3A_37 = arith.constant 4 : i32
      %rem3A_38 = arith.remsi %rem3A_36, %rem3A_37 : i32
      %rem3A_39 = arith.constant 1 : i32
      %rem3A_40 = arith.constant 4 : i32
      %rem3A_41 = arith.remsi %rem3A_39, %rem3A_40 : i32
      %dma_start3A_42 = arith.constant 1 : i32
      %dma_start3A_43 = arith.constant 0 : i32
      %dma_start3A_44 = arith.constant 0 : i32
      %dma_start3A_45 = tpu.memref_slice %arg12[%rem3A_38, %dma_start3A_43, %dma_start3A_44] : memref<4x128x64xf32, #tpu.memory_space<vmem>> -> memref<1x128x64xf32, #tpu.memory_space<vmem>>
      %dma_start3A_46 = tpu.memref_squeeze %dma_start3A_45 : memref<1x128x64xf32, #tpu.memory_space<vmem>> -> memref<128x64xf32, #tpu.memory_space<vmem>>
      %dma_start3A_47 = arith.constant 0 : i32
      %dma_start3A_48 = tpu.memref_slice %arg10[%dma_start3A_42, %dma_start3A_47] : memref<158x128xi32, #tpu.memory_space<vmem>> -> memref<1x128xi32, #tpu.memory_space<vmem>>
      %dma_start3A_49 = tpu.memref_squeeze %dma_start3A_48 : memref<1x128xi32, #tpu.memory_space<vmem>> -> memref<128xi32, #tpu.memory_space<vmem>>
      %dma_start3A_50 = arith.constant 0 : i32
      %dma_start3A_51 = arith.constant 0 : i32
      %dma_start3A_52 = tpu.memref_slice %arg2[%dma_start3A_50, %dma_start3A_51] : memref<10000x64xf32, #tpu.memory_space<hbm>> -> memref<10000x64xf32, #tpu.memory_space<hbm>>
      %dma_start3A_53 = tpu.memref_slice %arg16[%rem3A_41] : memref<4x!tpu.dma_semaphore, #tpu.memory_space<semaphore_mem>> -> memref<1x!tpu.dma_semaphore, #tpu.memory_space<semaphore_mem>>
      %dma_start3A_54 = tpu.memref_squeeze %dma_start3A_53 : memref<1x!tpu.dma_semaphore, #tpu.memory_space<semaphore_mem>> -> memref<!tpu.dma_semaphore, #tpu.memory_space<semaphore_mem>>
      tpu.enqueue_indirect_dma source(%dma_start3A_52 : memref<10000x64xf32, #tpu.memory_space<hbm>>) target(%dma_start3A_46 : memref<128x64xf32, #tpu.memory_space<vmem>>) offsets(%dma_start3A_49 : memref<128xi32, #tpu.memory_space<vmem>>) semaphore(%dma_start3A_54 : memref<!tpu.dma_semaphore, #tpu.memory_space<semaphore_mem>>)
      %scan3A = arith.constant 0 : i32
      %scan3A_55 = arith.constant 0 : i32
      %scan3A_56 = arith.constant 158 : i32
      %scan3A_57 = arith.addi %scan3A_55, %scan3A_56 : i32
      %scan3A_58 = arith.constant 1 : i32
      scf.for %scan3A_98 = %scan3A_55 to %scan3A_57 step %scan3A_58  : i32 {
        %rem3A_99 = arith.constant 4 : i32
        %rem3A_100 = arith.remsi %scan3A_98, %rem3A_99 : i32
        %rem3A_101 = arith.constant 4 : i32
        %rem3A_102 = arith.remsi %scan3A_98, %rem3A_101 : i32
        %dma_wait3A_103 = arith.constant 0 : i32
        %dma_wait3A_104 = arith.constant 0 : i32
        %dma_wait3A_105 = tpu.memref_slice %arg12[%rem3A_100, %dma_wait3A_103, %dma_wait3A_104] : memref<4x128x64xf32, #tpu.memory_space<vmem>> -> memref<1x128x64xf32, #tpu.memory_space<vmem>>
        %dma_wait3A_106 = tpu.memref_squeeze %dma_wait3A_105 : memref<1x128x64xf32, #tpu.memory_space<vmem>> -> memref<128x64xf32, #tpu.memory_space<vmem>>
        %dma_wait3A_107 = arith.constant 0 : i32
        %dma_wait3A_108 = tpu.memref_slice %arg10[%scan3A_98, %dma_wait3A_107] : memref<158x128xi32, #tpu.memory_space<vmem>> -> memref<1x128xi32, #tpu.memory_space<vmem>>
        %dma_wait3A_109 = tpu.memref_squeeze %dma_wait3A_108 : memref<1x128xi32, #tpu.memory_space<vmem>> -> memref<128xi32, #tpu.memory_space<vmem>>
        %dma_wait3A_110 = arith.constant 0 : i32
        %dma_wait3A_111 = arith.constant 0 : i32
        %dma_wait3A_112 = tpu.memref_slice %arg2[%dma_wait3A_110, %dma_wait3A_111] : memref<10000x64xf32, #tpu.memory_space<hbm>> -> memref<10000x64xf32, #tpu.memory_space<hbm>>
        %dma_wait3A_113 = tpu.memref_slice %arg16[%rem3A_102] : memref<4x!tpu.dma_semaphore, #tpu.memory_space<semaphore_mem>> -> memref<1x!tpu.dma_semaphore, #tpu.memory_space<semaphore_mem>>
        %dma_wait3A_114 = tpu.memref_squeeze %dma_wait3A_113 : memref<1x!tpu.dma_semaphore, #tpu.memory_space<semaphore_mem>> -> memref<!tpu.dma_semaphore, #tpu.memory_space<semaphore_mem>>
        tpu.wait_indirect_dma semaphore(%dma_wait3A_114 : memref<!tpu.dma_semaphore, #tpu.memory_space<semaphore_mem>>) src(%dma_wait3A_112 : memref<10000x64xf32, #tpu.memory_space<hbm>>) dst(%dma_wait3A_106 : memref<128x64xf32, #tpu.memory_space<vmem>>)
        %rem3A_115 = arith.constant 4 : i32
        %rem3A_116 = arith.remsi %scan3A_98, %rem3A_115 : i32
        %rem3A_117 = arith.constant 4 : i32
        %rem3A_118 = arith.remsi %scan3A_98, %rem3A_117 : i32
        %dma_start3A_119 = arith.constant 0 : i32
        %dma_start3A_120 = arith.constant 0 : i32
        %dma_start3A_121 = tpu.memref_slice %arg12[%rem3A_116, %dma_start3A_119, %dma_start3A_120] : memref<4x128x64xf32, #tpu.memory_space<vmem>> -> memref<1x128x64xf32, #tpu.memory_space<vmem>>
        %dma_start3A_122 = tpu.memref_squeeze %dma_start3A_121 : memref<1x128x64xf32, #tpu.memory_space<vmem>> -> memref<128x64xf32, #tpu.memory_space<vmem>>
        %dma_start3A_123 = arith.constant 0 : i32
        %dma_start3A_124 = tpu.memref_slice %arg11[%scan3A_98, %dma_start3A_123] : memref<158x128xi32, #tpu.memory_space<vmem>> -> memref<1x128xi32, #tpu.memory_space<vmem>>
        %dma_start3A_125 = tpu.memref_squeeze %dma_start3A_124 : memref<1x128xi32, #tpu.memory_space<vmem>> -> memref<128xi32, #tpu.memory_space<vmem>>
        %dma_start3A_126 = arith.constant 0 : i32
        %dma_start3A_127 = arith.constant 0 : i32
        %dma_start3A_128 = tpu.memref_slice %arg14[%dma_start3A_126, %dma_start3A_127] : memref<10112x64xf32, #tpu.memory_space<vmem_shared>> -> memref<10112x64xf32, #tpu.memory_space<vmem_shared>>
        %dma_start3A_129 = tpu.memref_slice %arg17[%rem3A_118] : memref<4x!tpu.dma_semaphore, #tpu.memory_space<semaphore_mem>> -> memref<1x!tpu.dma_semaphore, #tpu.memory_space<semaphore_mem>>
        %dma_start3A_130 = tpu.memref_squeeze %dma_start3A_129 : memref<1x!tpu.dma_semaphore, #tpu.memory_space<semaphore_mem>> -> memref<!tpu.dma_semaphore, #tpu.memory_space<semaphore_mem>>
        tpu.enqueue_indirect_dma source(%dma_start3A_122 : memref<128x64xf32, #tpu.memory_space<vmem>>) target(%dma_start3A_128 : memref<10112x64xf32, #tpu.memory_space<vmem_shared>>) offsets(%dma_start3A_125 : memref<128xi32, #tpu.memory_space<vmem>>) semaphore(%dma_start3A_130 : memref<!tpu.dma_semaphore, #tpu.memory_space<semaphore_mem>>) {add = true}
        %ge3A = arith.constant 2 : i32
        %ge3A_131 = arith.cmpi sge, %scan3A_98, %ge3A : i32
        %convert_element_type3A_132 = arith.extui %ge3A_131 : i1 to i32
        %cond3A_133 = arith.constant 0 : i32
        %cond3A_134 = arith.cmpi ne, %convert_element_type3A_132, %cond3A_133 : i32
        scf.if %cond3A_134 {
          %sub3A = arith.constant 2 : i32
          %sub3A_141 = arith.subi %scan3A_98, %sub3A : i32
          %rem3A_142 = arith.constant 4 : i32
          %rem3A_143 = arith.remsi %sub3A_141, %rem3A_142 : i32
          %rem3A_144 = arith.constant 4 : i32
          %rem3A_145 = arith.remsi %sub3A_141, %rem3A_144 : i32
          %dma_wait3A_146 = arith.constant 0 : i32
          %dma_wait3A_147 = arith.constant 0 : i32
          %dma_wait3A_148 = tpu.memref_slice %arg12[%rem3A_143, %dma_wait3A_146, %dma_wait3A_147] : memref<4x128x64xf32, #tpu.memory_space<vmem>> -> memref<1x128x64xf32, #tpu.memory_space<vmem>>
          %dma_wait3A_149 = tpu.memref_squeeze %dma_wait3A_148 : memref<1x128x64xf32, #tpu.memory_space<vmem>> -> memref<128x64xf32, #tpu.memory_space<vmem>>
          %dma_wait3A_150 = arith.constant 0 : i32
          %dma_wait3A_151 = tpu.memref_slice %arg11[%sub3A_141, %dma_wait3A_150] : memref<158x128xi32, #tpu.memory_space<vmem>> -> memref<1x128xi32, #tpu.memory_space<vmem>>
          %dma_wait3A_152 = tpu.memref_squeeze %dma_wait3A_151 : memref<1x128xi32, #tpu.memory_space<vmem>> -> memref<128xi32, #tpu.memory_space<vmem>>
          %dma_wait3A_153 = arith.constant 0 : i32
          %dma_wait3A_154 = arith.constant 0 : i32
          %dma_wait3A_155 = tpu.memref_slice %arg14[%dma_wait3A_153, %dma_wait3A_154] : memref<10112x64xf32, #tpu.memory_space<vmem_shared>> -> memref<10112x64xf32, #tpu.memory_space<vmem_shared>>
          %dma_wait3A_156 = tpu.memref_slice %arg17[%rem3A_145] : memref<4x!tpu.dma_semaphore, #tpu.memory_space<semaphore_mem>> -> memref<1x!tpu.dma_semaphore, #tpu.memory_space<semaphore_mem>>
          %dma_wait3A_157 = tpu.memref_squeeze %dma_wait3A_156 : memref<1x!tpu.dma_semaphore, #tpu.memory_space<semaphore_mem>> -> memref<!tpu.dma_semaphore, #tpu.memory_space<semaphore_mem>>
          tpu.wait_indirect_dma semaphore(%dma_wait3A_157 : memref<!tpu.dma_semaphore, #tpu.memory_space<semaphore_mem>>) src(%dma_wait3A_149 : memref<128x64xf32, #tpu.memory_space<vmem>>) dst(%dma_wait3A_155 : memref<10112x64xf32, #tpu.memory_space<vmem_shared>>)
        } else {
        }
        %add3A_135 = arith.constant 2 : i32
        %add3A_136 = arith.addi %scan3A_98, %add3A_135 : i32
        %lt3A = arith.constant 158 : i32
        %lt3A_137 = arith.cmpi slt, %add3A_136, %lt3A : i32
        %convert_element_type3A_138 = arith.extui %lt3A_137 : i1 to i32
        %cond3A_139 = arith.constant 0 : i32
        %cond3A_140 = arith.cmpi ne, %convert_element_type3A_138, %cond3A_139 : i32
        scf.if %cond3A_140 {
          %add3A_141 = arith.constant 2 : i32
          %add3A_142 = arith.addi %scan3A_98, %add3A_141 : i32
          %rem3A_143 = arith.constant 4 : i32
          %rem3A_144 = arith.remsi %add3A_142, %rem3A_143 : i32
          %rem3A_145 = arith.constant 4 : i32
          %rem3A_146 = arith.remsi %add3A_142, %rem3A_145 : i32
          %dma_start3A_147 = arith.constant 0 : i32
          %dma_start3A_148 = arith.constant 0 : i32
          %dma_start3A_149 = tpu.memref_slice %arg12[%rem3A_144, %dma_start3A_147, %dma_start3A_148] : memref<4x128x64xf32, #tpu.memory_space<vmem>> -> memref<1x128x64xf32, #tpu.memory_space<vmem>>
          %dma_start3A_150 = tpu.memref_squeeze %dma_start3A_149 : memref<1x128x64xf32, #tpu.memory_space<vmem>> -> memref<128x64xf32, #tpu.memory_space<vmem>>
          %dma_start3A_151 = arith.constant 0 : i32
          %dma_start3A_152 = tpu.memref_slice %arg10[%add3A_142, %dma_start3A_151] : memref<158x128xi32, #tpu.memory_space<vmem>> -> memref<1x128xi32, #tpu.memory_space<vmem>>
          %dma_start3A_153 = tpu.memref_squeeze %dma_start3A_152 : memref<1x128xi32, #tpu.memory_space<vmem>> -> memref<128xi32, #tpu.memory_space<vmem>>
          %dma_start3A_154 = arith.constant 0 : i32
          %dma_start3A_155 = arith.constant 0 : i32
          %dma_start3A_156 = tpu.memref_slice %arg2[%dma_start3A_154, %dma_start3A_155] : memref<10000x64xf32, #tpu.memory_space<hbm>> -> memref<10000x64xf32, #tpu.memory_space<hbm>>
          %dma_start3A_157 = tpu.memref_slice %arg16[%rem3A_146] : memref<4x!tpu.dma_semaphore, #tpu.memory_space<semaphore_mem>> -> memref<1x!tpu.dma_semaphore, #tpu.memory_space<semaphore_mem>>
          %dma_start3A_158 = tpu.memref_squeeze %dma_start3A_157 : memref<1x!tpu.dma_semaphore, #tpu.memory_space<semaphore_mem>> -> memref<!tpu.dma_semaphore, #tpu.memory_space<semaphore_mem>>
          tpu.enqueue_indirect_dma source(%dma_start3A_156 : memref<10000x64xf32, #tpu.memory_space<hbm>>) target(%dma_start3A_150 : memref<128x64xf32, #tpu.memory_space<vmem>>) offsets(%dma_start3A_153 : memref<128xi32, #tpu.memory_space<vmem>>) semaphore(%dma_start3A_158 : memref<!tpu.dma_semaphore, #tpu.memory_space<semaphore_mem>>)
        } else {
        }
      }
      %scan3A_59 = arith.constant 158 : i32
      %rem3A_60 = arith.constant 156 : i32
      %rem3A_61 = arith.constant 4 : i32
      %rem3A_62 = arith.remsi %rem3A_60, %rem3A_61 : i32
      %rem3A_63 = arith.constant 156 : i32
      %rem3A_64 = arith.constant 4 : i32
      %rem3A_65 = arith.remsi %rem3A_63, %rem3A_64 : i32
      %dma_wait3A = arith.constant 156 : i32
      %dma_wait3A_66 = arith.constant 0 : i32
      %dma_wait3A_67 = arith.constant 0 : i32
      %dma_wait3A_68 = tpu.memref_slice %arg12[%rem3A_62, %dma_wait3A_66, %dma_wait3A_67] : memref<4x128x64xf32, #tpu.memory_space<vmem>> -> memref<1x128x64xf32, #tpu.memory_space<vmem>>
      %dma_wait3A_69 = tpu.memref_squeeze %dma_wait3A_68 : memref<1x128x64xf32, #tpu.memory_space<vmem>> -> memref<128x64xf32, #tpu.memory_space<vmem>>
      %dma_wait3A_70 = arith.constant 0 : i32
      %dma_wait3A_71 = tpu.memref_slice %arg11[%dma_wait3A, %dma_wait3A_70] : memref<158x128xi32, #tpu.memory_space<vmem>> -> memref<1x128xi32, #tpu.memory_space<vmem>>
      %dma_wait3A_72 = tpu.memref_squeeze %dma_wait3A_71 : memref<1x128xi32, #tpu.memory_space<vmem>> -> memref<128xi32, #tpu.memory_space<vmem>>
      %dma_wait3A_73 = arith.constant 0 : i32
      %dma_wait3A_74 = arith.constant 0 : i32
      %dma_wait3A_75 = tpu.memref_slice %arg14[%dma_wait3A_73, %dma_wait3A_74] : memref<10112x64xf32, #tpu.memory_space<vmem_shared>> -> memref<10112x64xf32, #tpu.memory_space<vmem_shared>>
      %dma_wait3A_76 = tpu.memref_slice %arg17[%rem3A_65] : memref<4x!tpu.dma_semaphore, #tpu.memory_space<semaphore_mem>> -> memref<1x!tpu.dma_semaphore, #tpu.memory_space<semaphore_mem>>
      %dma_wait3A_77 = tpu.memref_squeeze %dma_wait3A_76 : memref<1x!tpu.dma_semaphore, #tpu.memory_space<semaphore_mem>> -> memref<!tpu.dma_semaphore, #tpu.memory_space<semaphore_mem>>
      tpu.wait_indirect_dma semaphore(%dma_wait3A_77 : memref<!tpu.dma_semaphore, #tpu.memory_space<semaphore_mem>>) src(%dma_wait3A_69 : memref<128x64xf32, #tpu.memory_space<vmem>>) dst(%dma_wait3A_75 : memref<10112x64xf32, #tpu.memory_space<vmem_shared>>)
      %rem3A_78 = arith.constant 157 : i32
      %rem3A_79 = arith.constant 4 : i32
      %rem3A_80 = arith.remsi %rem3A_78, %rem3A_79 : i32
      %rem3A_81 = arith.constant 157 : i32
      %rem3A_82 = arith.constant 4 : i32
      %rem3A_83 = arith.remsi %rem3A_81, %rem3A_82 : i32
      %dma_wait3A_84 = arith.constant 157 : i32
      %dma_wait3A_85 = arith.constant 0 : i32
      %dma_wait3A_86 = arith.constant 0 : i32
      %dma_wait3A_87 = tpu.memref_slice %arg12[%rem3A_80, %dma_wait3A_85, %dma_wait3A_86] : memref<4x128x64xf32, #tpu.memory_space<vmem>> -> memref<1x128x64xf32, #tpu.memory_space<vmem>>
      %dma_wait3A_88 = tpu.memref_squeeze %dma_wait3A_87 : memref<1x128x64xf32, #tpu.memory_space<vmem>> -> memref<128x64xf32, #tpu.memory_space<vmem>>
      %dma_wait3A_89 = arith.constant 0 : i32
      %dma_wait3A_90 = tpu.memref_slice %arg11[%dma_wait3A_84, %dma_wait3A_89] : memref<158x128xi32, #tpu.memory_space<vmem>> -> memref<1x128xi32, #tpu.memory_space<vmem>>
      %dma_wait3A_91 = tpu.memref_squeeze %dma_wait3A_90 : memref<1x128xi32, #tpu.memory_space<vmem>> -> memref<128xi32, #tpu.memory_space<vmem>>
      %dma_wait3A_92 = arith.constant 0 : i32
      %dma_wait3A_93 = arith.constant 0 : i32
      %dma_wait3A_94 = tpu.memref_slice %arg14[%dma_wait3A_92, %dma_wait3A_93] : memref<10112x64xf32, #tpu.memory_space<vmem_shared>> -> memref<10112x64xf32, #tpu.memory_space<vmem_shared>>
      %dma_wait3A_95 = tpu.memref_slice %arg17[%rem3A_83] : memref<4x!tpu.dma_semaphore, #tpu.memory_space<semaphore_mem>> -> memref<1x!tpu.dma_semaphore, #tpu.memory_space<semaphore_mem>>
      %dma_wait3A_96 = tpu.memref_squeeze %dma_wait3A_95 : memref<1x!tpu.dma_semaphore, #tpu.memory_space<semaphore_mem>> -> memref<!tpu.dma_semaphore, #tpu.memory_space<semaphore_mem>>
      tpu.wait_indirect_dma semaphore(%dma_wait3A_96 : memref<!tpu.dma_semaphore, #tpu.memory_space<semaphore_mem>>) src(%dma_wait3A_88 : memref<128x64xf32, #tpu.memory_space<vmem>>) dst(%dma_wait3A_94 : memref<10112x64xf32, #tpu.memory_space<vmem_shared>>)
      %barrier3A_97 = arith.constant 0 : index
      tpu.barrier barrier_id(%barrier3A_97)
      "tpu.region"() ({
        %run_scoped3A = tpu.sem_alloc : memref<!tpu.dma_semaphore, #tpu.memory_space<semaphore_mem>>
        %dma_start3A_98 = arith.constant 0 : i32
        %dma_start3A_99 = tpu.memref_slice %arg8[%arg0, %mul3A_0, %dma_start3A_98] : memref<2x10112x64xf32, #tpu.memory_space<hbm>> -> memref<1x632x64xf32, #tpu.memory_space<hbm>>
        %dma_start3A_100 = tpu.memref_squeeze %dma_start3A_99 : memref<1x632x64xf32, #tpu.memory_space<hbm>> -> memref<632x64xf32, #tpu.memory_space<hbm>>
        %dma_start3A_101 = arith.constant 0 : i32
        %dma_start3A_102 = tpu.memref_slice %arg14[%mul3A_0, %dma_start3A_101] : memref<10112x64xf32, #tpu.memory_space<vmem_shared>> -> memref<632x64xf32, #tpu.memory_space<vmem_shared>>
        tpu.enqueue_dma source(%dma_start3A_102 : memref<632x64xf32, #tpu.memory_space<vmem_shared>>) target(%dma_start3A_100 : memref<632x64xf32, #tpu.memory_space<hbm>>) target_semaphore(%run_scoped3A : memref<!tpu.dma_semaphore, #tpu.memory_space<semaphore_mem>>)
        %dma_wait3A_103 = arith.constant 0 : i32
        %dma_wait3A_104 = tpu.memref_slice %arg8[%arg0, %mul3A_0, %dma_wait3A_103] : memref<2x10112x64xf32, #tpu.memory_space<hbm>> -> memref<1x632x64xf32, #tpu.memory_space<hbm>>
        %dma_wait3A_105 = tpu.memref_squeeze %dma_wait3A_104 : memref<1x632x64xf32, #tpu.memory_space<hbm>> -> memref<632x64xf32, #tpu.memory_space<hbm>>
        %dma_wait3A_106 = arith.constant 0 : i32
        %dma_wait3A_107 = tpu.memref_slice %arg14[%mul3A_0, %dma_wait3A_106] : memref<10112x64xf32, #tpu.memory_space<vmem_shared>> -> memref<632x64xf32, #tpu.memory_space<vmem_shared>>
        tpu.wait_dma2 semaphore(%run_scoped3A : memref<!tpu.dma_semaphore, #tpu.memory_space<semaphore_mem>>) src(%dma_wait3A_107 : memref<632x64xf32, #tpu.memory_space<vmem_shared>>) dst(%dma_wait3A_105 : memref<632x64xf32, #tpu.memory_space<hbm>>)
        tpu.yield
      }) : () -> ()
    } else {
    }
    %eq3A_5 = arith.constant 1 : i32
    %eq3A_6 = arith.cmpi eq, %arg0, %eq3A_5 : i32
    %convert_element_type3A_7 = arith.extui %eq3A_6 : i1 to i32
    %cond3A_8 = arith.constant 0 : i32
    %cond3A_9 = arith.cmpi ne, %convert_element_type3A_7, %cond3A_8 : i32
    scf.if %cond3A_9 {
      %add3A = arith.constant 0 : i32
      %add3A_10 = arith.addi %mul3A_0, %add3A : i32
      "tpu.region"() ({
        %run_scoped3A = tpu.sem_alloc : memref<!tpu.dma_semaphore, #tpu.memory_space<semaphore_mem>>
        %dma_start3A = arith.constant 0 : i32
        %dma_start3A_47 = tpu.memref_slice %arg15[%add3A_10, %dma_start3A] : memref<10112x16xf32, #tpu.memory_space<vmem_shared>> -> memref<128x16xf32, #tpu.memory_space<vmem_shared>>
        %dma_start3A_48 = arith.constant 0 : i32
        %dma_start3A_49 = arith.constant 0 : i32
        %dma_start3A_50 = tpu.memref_slice %arg6[%dma_start3A_48, %dma_start3A_49] : memref<128x16xf32, #tpu.memory_space<hbm>> -> memref<128x16xf32, #tpu.memory_space<hbm>>
        tpu.enqueue_dma source(%dma_start3A_50 : memref<128x16xf32, #tpu.memory_space<hbm>>) target(%dma_start3A_47 : memref<128x16xf32, #tpu.memory_space<vmem_shared>>) target_semaphore(%run_scoped3A : memref<!tpu.dma_semaphore, #tpu.memory_space<semaphore_mem>>)
        %dma_wait3A_51 = arith.constant 0 : i32
        %dma_wait3A_52 = tpu.memref_slice %arg15[%add3A_10, %dma_wait3A_51] : memref<10112x16xf32, #tpu.memory_space<vmem_shared>> -> memref<128x16xf32, #tpu.memory_space<vmem_shared>>
        %dma_wait3A_53 = arith.constant 0 : i32
        %dma_wait3A_54 = arith.constant 0 : i32
        %dma_wait3A_55 = tpu.memref_slice %arg6[%dma_wait3A_53, %dma_wait3A_54] : memref<128x16xf32, #tpu.memory_space<hbm>> -> memref<128x16xf32, #tpu.memory_space<hbm>>
        tpu.wait_dma2 semaphore(%run_scoped3A : memref<!tpu.dma_semaphore, #tpu.memory_space<semaphore_mem>>) src(%dma_wait3A_55 : memref<128x16xf32, #tpu.memory_space<hbm>>) dst(%dma_wait3A_52 : memref<128x16xf32, #tpu.memory_space<vmem_shared>>)
        tpu.yield
      }) : () -> ()
      %add3A_11 = arith.constant 128 : i32
      %add3A_12 = arith.addi %mul3A_0, %add3A_11 : i32
      "tpu.region"() ({
        %run_scoped3A = tpu.sem_alloc : memref<!tpu.dma_semaphore, #tpu.memory_space<semaphore_mem>>
        %dma_start3A = arith.constant 0 : i32
        %dma_start3A_47 = tpu.memref_slice %arg15[%add3A_12, %dma_start3A] : memref<10112x16xf32, #tpu.memory_space<vmem_shared>> -> memref<128x16xf32, #tpu.memory_space<vmem_shared>>
        %dma_start3A_48 = arith.constant 0 : i32
        %dma_start3A_49 = arith.constant 0 : i32
        %dma_start3A_50 = tpu.memref_slice %arg6[%dma_start3A_48, %dma_start3A_49] : memref<128x16xf32, #tpu.memory_space<hbm>> -> memref<128x16xf32, #tpu.memory_space<hbm>>
        tpu.enqueue_dma source(%dma_start3A_50 : memref<128x16xf32, #tpu.memory_space<hbm>>) target(%dma_start3A_47 : memref<128x16xf32, #tpu.memory_space<vmem_shared>>) target_semaphore(%run_scoped3A : memref<!tpu.dma_semaphore, #tpu.memory_space<semaphore_mem>>)
        %dma_wait3A_51 = arith.constant 0 : i32
        %dma_wait3A_52 = tpu.memref_slice %arg15[%add3A_12, %dma_wait3A_51] : memref<10112x16xf32, #tpu.memory_space<vmem_shared>> -> memref<128x16xf32, #tpu.memory_space<vmem_shared>>
        %dma_wait3A_53 = arith.constant 0 : i32
        %dma_wait3A_54 = arith.constant 0 : i32
        %dma_wait3A_55 = tpu.memref_slice %arg6[%dma_wait3A_53, %dma_wait3A_54] : memref<128x16xf32, #tpu.memory_space<hbm>> -> memref<128x16xf32, #tpu.memory_space<hbm>>
        tpu.wait_dma2 semaphore(%run_scoped3A : memref<!tpu.dma_semaphore, #tpu.memory_space<semaphore_mem>>) src(%dma_wait3A_55 : memref<128x16xf32, #tpu.memory_space<hbm>>) dst(%dma_wait3A_52 : memref<128x16xf32, #tpu.memory_space<vmem_shared>>)
        tpu.yield
      }) : () -> ()
      %add3A_13 = arith.constant 256 : i32
      %add3A_14 = arith.addi %mul3A_0, %add3A_13 : i32
      "tpu.region"() ({
        %run_scoped3A = tpu.sem_alloc : memref<!tpu.dma_semaphore, #tpu.memory_space<semaphore_mem>>
        %dma_start3A = arith.constant 0 : i32
        %dma_start3A_47 = tpu.memref_slice %arg15[%add3A_14, %dma_start3A] : memref<10112x16xf32, #tpu.memory_space<vmem_shared>> -> memref<128x16xf32, #tpu.memory_space<vmem_shared>>
        %dma_start3A_48 = arith.constant 0 : i32
        %dma_start3A_49 = arith.constant 0 : i32
        %dma_start3A_50 = tpu.memref_slice %arg6[%dma_start3A_48, %dma_start3A_49] : memref<128x16xf32, #tpu.memory_space<hbm>> -> memref<128x16xf32, #tpu.memory_space<hbm>>
        tpu.enqueue_dma source(%dma_start3A_50 : memref<128x16xf32, #tpu.memory_space<hbm>>) target(%dma_start3A_47 : memref<128x16xf32, #tpu.memory_space<vmem_shared>>) target_semaphore(%run_scoped3A : memref<!tpu.dma_semaphore, #tpu.memory_space<semaphore_mem>>)
        %dma_wait3A_51 = arith.constant 0 : i32
        %dma_wait3A_52 = tpu.memref_slice %arg15[%add3A_14, %dma_wait3A_51] : memref<10112x16xf32, #tpu.memory_space<vmem_shared>> -> memref<128x16xf32, #tpu.memory_space<vmem_shared>>
        %dma_wait3A_53 = arith.constant 0 : i32
        %dma_wait3A_54 = arith.constant 0 : i32
        %dma_wait3A_55 = tpu.memref_slice %arg6[%dma_wait3A_53, %dma_wait3A_54] : memref<128x16xf32, #tpu.memory_space<hbm>> -> memref<128x16xf32, #tpu.memory_space<hbm>>
        tpu.wait_dma2 semaphore(%run_scoped3A : memref<!tpu.dma_semaphore, #tpu.memory_space<semaphore_mem>>) src(%dma_wait3A_55 : memref<128x16xf32, #tpu.memory_space<hbm>>) dst(%dma_wait3A_52 : memref<128x16xf32, #tpu.memory_space<vmem_shared>>)
        tpu.yield
      }) : () -> ()
      %add3A_15 = arith.constant 384 : i32
      %add3A_16 = arith.addi %mul3A_0, %add3A_15 : i32
      "tpu.region"() ({
        %run_scoped3A = tpu.sem_alloc : memref<!tpu.dma_semaphore, #tpu.memory_space<semaphore_mem>>
        %dma_start3A = arith.constant 0 : i32
        %dma_start3A_47 = tpu.memref_slice %arg15[%add3A_16, %dma_start3A] : memref<10112x16xf32, #tpu.memory_space<vmem_shared>> -> memref<128x16xf32, #tpu.memory_space<vmem_shared>>
        %dma_start3A_48 = arith.constant 0 : i32
        %dma_start3A_49 = arith.constant 0 : i32
        %dma_start3A_50 = tpu.memref_slice %arg6[%dma_start3A_48, %dma_start3A_49] : memref<128x16xf32, #tpu.memory_space<hbm>> -> memref<128x16xf32, #tpu.memory_space<hbm>>
        tpu.enqueue_dma source(%dma_start3A_50 : memref<128x16xf32, #tpu.memory_space<hbm>>) target(%dma_start3A_47 : memref<128x16xf32, #tpu.memory_space<vmem_shared>>) target_semaphore(%run_scoped3A : memref<!tpu.dma_semaphore, #tpu.memory_space<semaphore_mem>>)
        %dma_wait3A_51 = arith.constant 0 : i32
        %dma_wait3A_52 = tpu.memref_slice %arg15[%add3A_16, %dma_wait3A_51] : memref<10112x16xf32, #tpu.memory_space<vmem_shared>> -> memref<128x16xf32, #tpu.memory_space<vmem_shared>>
        %dma_wait3A_53 = arith.constant 0 : i32
        %dma_wait3A_54 = arith.constant 0 : i32
        %dma_wait3A_55 = tpu.memref_slice %arg6[%dma_wait3A_53, %dma_wait3A_54] : memref<128x16xf32, #tpu.memory_space<hbm>> -> memref<128x16xf32, #tpu.memory_space<hbm>>
        tpu.wait_dma2 semaphore(%run_scoped3A : memref<!tpu.dma_semaphore, #tpu.memory_space<semaphore_mem>>) src(%dma_wait3A_55 : memref<128x16xf32, #tpu.memory_space<hbm>>) dst(%dma_wait3A_52 : memref<128x16xf32, #tpu.memory_space<vmem_shared>>)
        tpu.yield
      }) : () -> ()
      %add3A_17 = arith.constant 512 : i32
      %add3A_18 = arith.addi %mul3A_0, %add3A_17 : i32
      "tpu.region"() ({
        %run_scoped3A = tpu.sem_alloc : memref<!tpu.dma_semaphore, #tpu.memory_space<semaphore_mem>>
        %dma_start3A = arith.constant 0 : i32
        %dma_start3A_47 = tpu.memref_slice %arg15[%add3A_18, %dma_start3A] : memref<10112x16xf32, #tpu.memory_space<vmem_shared>> -> memref<120x16xf32, #tpu.memory_space<vmem_shared>>
        %dma_start3A_48 = arith.constant 0 : i32
        %dma_start3A_49 = arith.constant 0 : i32
        %dma_start3A_50 = tpu.memref_slice %arg6[%dma_start3A_48, %dma_start3A_49] : memref<128x16xf32, #tpu.memory_space<hbm>> -> memref<120x16xf32, #tpu.memory_space<hbm>>
        tpu.enqueue_dma source(%dma_start3A_50 : memref<120x16xf32, #tpu.memory_space<hbm>>) target(%dma_start3A_47 : memref<120x16xf32, #tpu.memory_space<vmem_shared>>) target_semaphore(%run_scoped3A : memref<!tpu.dma_semaphore, #tpu.memory_space<semaphore_mem>>)
        %dma_wait3A_51 = arith.constant 0 : i32
        %dma_wait3A_52 = tpu.memref_slice %arg15[%add3A_18, %dma_wait3A_51] : memref<10112x16xf32, #tpu.memory_space<vmem_shared>> -> memref<120x16xf32, #tpu.memory_space<vmem_shared>>
        %dma_wait3A_53 = arith.constant 0 : i32
        %dma_wait3A_54 = arith.constant 0 : i32
        %dma_wait3A_55 = tpu.memref_slice %arg6[%dma_wait3A_53, %dma_wait3A_54] : memref<128x16xf32, #tpu.memory_space<hbm>> -> memref<120x16xf32, #tpu.memory_space<hbm>>
        tpu.wait_dma2 semaphore(%run_scoped3A : memref<!tpu.dma_semaphore, #tpu.memory_space<semaphore_mem>>) src(%dma_wait3A_55 : memref<120x16xf32, #tpu.memory_space<hbm>>) dst(%dma_wait3A_52 : memref<120x16xf32, #tpu.memory_space<vmem_shared>>)
        tpu.yield
      }) : () -> ()
      "tpu.region"() ({
        %run_scoped3A = tpu.sem_alloc : memref<!tpu.dma_semaphore, #tpu.memory_space<semaphore_mem>>
        %dma_start3A = arith.constant 0 : i32
        %dma_start3A_47 = tpu.memref_slice %arg4[%mul3A_2, %dma_start3A] : memref<2528x128xi32, #tpu.memory_space<hbm>> -> memref<158x128xi32, #tpu.memory_space<hbm>>
        %dma_start3A_48 = arith.constant 0 : i32
        %dma_start3A_49 = tpu.memref_slice %arg4[%mul3A_2, %dma_start3A_48] : memref<2528x128xi32, #tpu.memory_space<hbm>> -> memref<158x128xi32, #tpu.memory_space<hbm>>
        tpu.enqueue_dma source(%dma_start3A_49 : memref<158x128xi32, #tpu.memory_space<hbm>>) target(%arg11 : memref<158x128xi32, #tpu.memory_space<vmem>>) target_semaphore(%run_scoped3A : memref<!tpu.dma_semaphore, #tpu.memory_space<semaphore_mem>>)
        %dma_wait3A_50 = arith.constant 0 : i32
        %dma_wait3A_51 = tpu.memref_slice %arg4[%mul3A_2, %dma_wait3A_50] : memref<2528x128xi32, #tpu.memory_space<hbm>> -> memref<158x128xi32, #tpu.memory_space<hbm>>
        %dma_wait3A_52 = arith.constant 0 : i32
        %dma_wait3A_53 = tpu.memref_slice %arg4[%mul3A_2, %dma_wait3A_52] : memref<2528x128xi32, #tpu.memory_space<hbm>> -> memref<158x128xi32, #tpu.memory_space<hbm>>
        tpu.wait_dma2 semaphore(%run_scoped3A : memref<!tpu.dma_semaphore, #tpu.memory_space<semaphore_mem>>) src(%dma_wait3A_53 : memref<158x128xi32, #tpu.memory_space<hbm>>) dst(%arg11 : memref<158x128xi32, #tpu.memory_space<vmem>>)
        tpu.yield
      }) : () -> ()
      "tpu.region"() ({
        %run_scoped3A = tpu.sem_alloc : memref<!tpu.dma_semaphore, #tpu.memory_space<semaphore_mem>>
        tpu.enqueue_dma source(%arg7 : memref<128x16xf32, #tpu.memory_space<hbm>>) target(%arg13 : memref<128x16xf32, #tpu.memory_space<vmem>>) target_semaphore(%run_scoped3A : memref<!tpu.dma_semaphore, #tpu.memory_space<semaphore_mem>>)
        tpu.wait_dma2 semaphore(%run_scoped3A : memref<!tpu.dma_semaphore, #tpu.memory_space<semaphore_mem>>) src(%arg7 : memref<128x16xf32, #tpu.memory_space<hbm>>) dst(%arg13 : memref<128x16xf32, #tpu.memory_space<vmem>>)
        tpu.yield
      }) : () -> ()
      %barrier3A = arith.constant 0 : index
      tpu.barrier barrier_id(%barrier3A)
      %scan3A = arith.constant 0 : i32
      %scan3A_19 = arith.constant 0 : i32
      %scan3A_20 = arith.constant 158 : i32
      %scan3A_21 = arith.addi %scan3A_19, %scan3A_20 : i32
      %scan3A_22 = arith.constant 1 : i32
      scf.for %scan3A_47 = %scan3A_19 to %scan3A_21 step %scan3A_22  : i32 {
        %ge3A = arith.constant 2 : i32
        %ge3A_48 = arith.cmpi sge, %scan3A_47, %ge3A : i32
        %convert_element_type3A_49 = arith.extui %ge3A_48 : i1 to i32
        %cond3A_50 = arith.constant 0 : i32
        %cond3A_51 = arith.cmpi ne, %convert_element_type3A_49, %cond3A_50 : i32
        scf.if %cond3A_51 {
          %sub3A = arith.constant 2 : i32
          %sub3A_61 = arith.subi %scan3A_47, %sub3A : i32
          %rem3A_62 = arith.constant 2 : i32
          %rem3A_63 = arith.remsi %sub3A_61, %rem3A_62 : i32
          %dma_wait3A_64 = arith.constant 0 : i32
          %dma_wait3A_65 = tpu.memref_slice %arg11[%sub3A_61, %dma_wait3A_64] : memref<158x128xi32, #tpu.memory_space<vmem>> -> memref<1x128xi32, #tpu.memory_space<vmem>>
          %dma_wait3A_66 = tpu.memref_squeeze %dma_wait3A_65 : memref<1x128xi32, #tpu.memory_space<vmem>> -> memref<128xi32, #tpu.memory_space<vmem>>
          %dma_wait3A_67 = arith.constant 0 : i32
          %dma_wait3A_68 = arith.constant 0 : i32
          %dma_wait3A_69 = tpu.memref_slice %arg15[%dma_wait3A_67, %dma_wait3A_68] : memref<10112x16xf32, #tpu.memory_space<vmem_shared>> -> memref<10112x16xf32, #tpu.memory_space<vmem_shared>>
          %dma_wait3A_70 = tpu.memref_slice %arg18[%rem3A_63] : memref<2x!tpu.dma_semaphore, #tpu.memory_space<semaphore_mem>> -> memref<1x!tpu.dma_semaphore, #tpu.memory_space<semaphore_mem>>
          %dma_wait3A_71 = tpu.memref_squeeze %dma_wait3A_70 : memref<1x!tpu.dma_semaphore, #tpu.memory_space<semaphore_mem>> -> memref<!tpu.dma_semaphore, #tpu.memory_space<semaphore_mem>>
          tpu.wait_indirect_dma semaphore(%dma_wait3A_71 : memref<!tpu.dma_semaphore, #tpu.memory_space<semaphore_mem>>) src(%arg13 : memref<128x16xf32, #tpu.memory_space<vmem>>) dst(%dma_wait3A_69 : memref<10112x16xf32, #tpu.memory_space<vmem_shared>>)
        } else {
        }
        %rem3A_52 = arith.constant 2 : i32
        %rem3A_53 = arith.remsi %scan3A_47, %rem3A_52 : i32
        %dma_start3A = arith.constant 0 : i32
        %dma_start3A_54 = tpu.memref_slice %arg11[%scan3A_47, %dma_start3A] : memref<158x128xi32, #tpu.memory_space<vmem>> -> memref<1x128xi32, #tpu.memory_space<vmem>>
        %dma_start3A_55 = tpu.memref_squeeze %dma_start3A_54 : memref<1x128xi32, #tpu.memory_space<vmem>> -> memref<128xi32, #tpu.memory_space<vmem>>
        %dma_start3A_56 = arith.constant 0 : i32
        %dma_start3A_57 = arith.constant 0 : i32
        %dma_start3A_58 = tpu.memref_slice %arg15[%dma_start3A_56, %dma_start3A_57] : memref<10112x16xf32, #tpu.memory_space<vmem_shared>> -> memref<10112x16xf32, #tpu.memory_space<vmem_shared>>
        %dma_start3A_59 = tpu.memref_slice %arg18[%rem3A_53] : memref<2x!tpu.dma_semaphore, #tpu.memory_space<semaphore_mem>> -> memref<1x!tpu.dma_semaphore, #tpu.memory_space<semaphore_mem>>
        %dma_start3A_60 = tpu.memref_squeeze %dma_start3A_59 : memref<1x!tpu.dma_semaphore, #tpu.memory_space<semaphore_mem>> -> memref<!tpu.dma_semaphore, #tpu.memory_space<semaphore_mem>>
        tpu.enqueue_indirect_dma source(%arg13 : memref<128x16xf32, #tpu.memory_space<vmem>>) target(%dma_start3A_58 : memref<10112x16xf32, #tpu.memory_space<vmem_shared>>) offsets(%dma_start3A_55 : memref<128xi32, #tpu.memory_space<vmem>>) semaphore(%dma_start3A_60 : memref<!tpu.dma_semaphore, #tpu.memory_space<semaphore_mem>>) {add = true}
      }
      %scan3A_23 = arith.constant 158 : i32
      %rem3A = arith.constant 156 : i32
      %rem3A_24 = arith.constant 2 : i32
      %rem3A_25 = arith.remsi %rem3A, %rem3A_24 : i32
      %dma_wait3A = arith.constant 156 : i32
      %dma_wait3A_26 = arith.constant 0 : i32
      %dma_wait3A_27 = tpu.memref_slice %arg11[%dma_wait3A, %dma_wait3A_26] : memref<158x128xi32, #tpu.memory_space<vmem>> -> memref<1x128xi32, #tpu.memory_space<vmem>>
      %dma_wait3A_28 = tpu.memref_squeeze %dma_wait3A_27 : memref<1x128xi32, #tpu.memory_space<vmem>> -> memref<128xi32, #tpu.memory_space<vmem>>
      %dma_wait3A_29 = arith.constant 0 : i32
      %dma_wait3A_30 = arith.constant 0 : i32
      %dma_wait3A_31 = tpu.memref_slice %arg15[%dma_wait3A_29, %dma_wait3A_30] : memref<10112x16xf32, #tpu.memory_space<vmem_shared>> -> memref<10112x16xf32, #tpu.memory_space<vmem_shared>>
      %dma_wait3A_32 = tpu.memref_slice %arg18[%rem3A_25] : memref<2x!tpu.dma_semaphore, #tpu.memory_space<semaphore_mem>> -> memref<1x!tpu.dma_semaphore, #tpu.memory_space<semaphore_mem>>
      %dma_wait3A_33 = tpu.memref_squeeze %dma_wait3A_32 : memref<1x!tpu.dma_semaphore, #tpu.memory_space<semaphore_mem>> -> memref<!tpu.dma_semaphore, #tpu.memory_space<semaphore_mem>>
      tpu.wait_indirect_dma semaphore(%dma_wait3A_33 : memref<!tpu.dma_semaphore, #tpu.memory_space<semaphore_mem>>) src(%arg13 : memref<128x16xf32, #tpu.memory_space<vmem>>) dst(%dma_wait3A_31 : memref<10112x16xf32, #tpu.memory_space<vmem_shared>>)
      %rem3A_34 = arith.constant 157 : i32
      %rem3A_35 = arith.constant 2 : i32
      %rem3A_36 = arith.remsi %rem3A_34, %rem3A_35 : i32
      %dma_wait3A_37 = arith.constant 157 : i32
      %dma_wait3A_38 = arith.constant 0 : i32
      %dma_wait3A_39 = tpu.memref_slice %arg11[%dma_wait3A_37, %dma_wait3A_38] : memref<158x128xi32, #tpu.memory_space<vmem>> -> memref<1x128xi32, #tpu.memory_space<vmem>>
      %dma_wait3A_40 = tpu.memref_squeeze %dma_wait3A_39 : memref<1x128xi32, #tpu.memory_space<vmem>> -> memref<128xi32, #tpu.memory_space<vmem>>
      %dma_wait3A_41 = arith.constant 0 : i32
      %dma_wait3A_42 = arith.constant 0 : i32
      %dma_wait3A_43 = tpu.memref_slice %arg15[%dma_wait3A_41, %dma_wait3A_42] : memref<10112x16xf32, #tpu.memory_space<vmem_shared>> -> memref<10112x16xf32, #tpu.memory_space<vmem_shared>>
      %dma_wait3A_44 = tpu.memref_slice %arg18[%rem3A_36] : memref<2x!tpu.dma_semaphore, #tpu.memory_space<semaphore_mem>> -> memref<1x!tpu.dma_semaphore, #tpu.memory_space<semaphore_mem>>
      %dma_wait3A_45 = tpu.memref_squeeze %dma_wait3A_44 : memref<1x!tpu.dma_semaphore, #tpu.memory_space<semaphore_mem>> -> memref<!tpu.dma_semaphore, #tpu.memory_space<semaphore_mem>>
      tpu.wait_indirect_dma semaphore(%dma_wait3A_45 : memref<!tpu.dma_semaphore, #tpu.memory_space<semaphore_mem>>) src(%arg13 : memref<128x16xf32, #tpu.memory_space<vmem>>) dst(%dma_wait3A_43 : memref<10112x16xf32, #tpu.memory_space<vmem_shared>>)
      %barrier3A_46 = arith.constant 0 : index
      tpu.barrier barrier_id(%barrier3A_46)
      "tpu.region"() ({
        %run_scoped3A = tpu.sem_alloc : memref<!tpu.dma_semaphore, #tpu.memory_space<semaphore_mem>>
        %dma_start3A = arith.constant 0 : i32
        %dma_start3A_47 = tpu.memref_slice %arg9[%arg0, %mul3A_0, %dma_start3A] : memref<2x10112x16xf32, #tpu.memory_space<hbm>> -> memref<1x632x16xf32, #tpu.memory_space<hbm>>
        %dma_start3A_48 = tpu.memref_squeeze %dma_start3A_47 : memref<1x632x16xf32, #tpu.memory_space<hbm>> -> memref<632x16xf32, #tpu.memory_space<hbm>>
        %dma_start3A_49 = arith.constant 0 : i32
        %dma_start3A_50 = tpu.memref_slice %arg15[%mul3A_0, %dma_start3A_49] : memref<10112x16xf32, #tpu.memory_space<vmem_shared>> -> memref<632x16xf32, #tpu.memory_space<vmem_shared>>
        tpu.enqueue_dma source(%dma_start3A_50 : memref<632x16xf32, #tpu.memory_space<vmem_shared>>) target(%dma_start3A_48 : memref<632x16xf32, #tpu.memory_space<hbm>>) target_semaphore(%run_scoped3A : memref<!tpu.dma_semaphore, #tpu.memory_space<semaphore_mem>>)
        %dma_wait3A_51 = arith.constant 0 : i32
        %dma_wait3A_52 = tpu.memref_slice %arg9[%arg0, %mul3A_0, %dma_wait3A_51] : memref<2x10112x16xf32, #tpu.memory_space<hbm>> -> memref<1x632x16xf32, #tpu.memory_space<hbm>>
        %dma_wait3A_53 = tpu.memref_squeeze %dma_wait3A_52 : memref<1x632x16xf32, #tpu.memory_space<hbm>> -> memref<632x16xf32, #tpu.memory_space<hbm>>
        %dma_wait3A_54 = arith.constant 0 : i32
        %dma_wait3A_55 = tpu.memref_slice %arg15[%mul3A_0, %dma_wait3A_54] : memref<10112x16xf32, #tpu.memory_space<vmem_shared>> -> memref<632x16xf32, #tpu.memory_space<vmem_shared>>
        tpu.wait_dma2 semaphore(%run_scoped3A : memref<!tpu.dma_semaphore, #tpu.memory_space<semaphore_mem>>) src(%dma_wait3A_55 : memref<632x16xf32, #tpu.memory_space<vmem_shared>>) dst(%dma_wait3A_53 : memref<632x16xf32, #tpu.memory_space<hbm>>)
        tpu.yield
      }) : () -> ()
    } else {
    }
    return
  }
}

module attributes {stable_mosaic.version = 14 : i64} {
  func.func @_tc_pre_body(%arg0: i32, %arg1: memref<2000x128xf32, #tpu.memory_space<vmem>>, %arg2: memref<64x128xf32, #tpu.memory_space<vmem>>, %arg3: memref<64x128xf32, #tpu.memory_space<vmem>>, %arg4: memref<2000x64xf32, #tpu.memory_space<vmem>>, %arg5: memref<2000x64xf32, #tpu.memory_space<vmem>>) attributes {dimension_semantics = [#tpu.dimension_semantics<arbitrary>], iteration_bounds = array<i64: 5>, scalar_prefetch = 0 : i64, scratch_operands = 0 : i64, tpu.core_type = #tpu.core_type<tc>, window_params = [{transform_indices = @transform_0, window_bounds = array<i64: 2000, 128>}, {pipeline_mode = #tpu.pipeline_mode<synchronous>, transform_indices = @transform_1, window_bounds = array<i64: 64, 128>}, {pipeline_mode = #tpu.pipeline_mode<synchronous>, transform_indices = @transform_2, window_bounds = array<i64: 64, 128>}, {transform_indices = @transform_3, window_bounds = array<i64: 2000, 64>}, {transform_indices = @transform_4, window_bounds = array<i64: 2000, 64>}]} {
    %get3A = arith.constant 0 : index
    %get3A_0 = arith.constant 0 : index
    %get3A_1 = vector.load %arg1[%get3A, %get3A_0] : memref<2000x128xf32, #tpu.memory_space<vmem>>, vector<2000x128xf32>
    %get3A_2 = arith.constant 0 : index
    %get3A_3 = arith.constant 0 : index
    %get3A_4 = vector.load %arg2[%get3A_2, %get3A_3] : memref<64x128xf32, #tpu.memory_space<vmem>>, vector<64x128xf32>
    %dot_general3A = arith.constant dense<0.000000e+00> : vector<2000x64xf32>
    %dot_general3A_5 = tpu.matmul %get3A_1, %get3A_4, %dot_general3A {dimension_numbers = #tpu.dot_dimension_numbers<[1], [1], [0], [0], [0, 0, 1, 0], [], []>, transpose_lhs_hint = false} : vector<2000x128xf32>, vector<64x128xf32>, vector<2000x64xf32> -> vector<2000x64xf32>
    %swap3A = arith.constant 0 : index
    %swap3A_6 = arith.constant 0 : index
    %swap3A_7 = vector.load %arg4[%swap3A, %swap3A_6] : memref<2000x64xf32, #tpu.memory_space<vmem>>, vector<2000x64xf32>
    tpu.vector_store %arg4[%swap3A, %swap3A_6], %dot_general3A_5 {strides = array<i32>} : memref<2000x64xf32, #tpu.memory_space<vmem>>, vector<2000x64xf32>,
    %get3A_8 = arith.constant 0 : index
    %get3A_9 = arith.constant 0 : index
    %get3A_10 = vector.load %arg3[%get3A_8, %get3A_9] : memref<64x128xf32, #tpu.memory_space<vmem>>, vector<64x128xf32>
    %dot_general3A_11 = arith.constant dense<0.000000e+00> : vector<2000x64xf32>
    %dot_general3A_12 = tpu.matmul %get3A_1, %get3A_10, %dot_general3A_11 {dimension_numbers = #tpu.dot_dimension_numbers<[1], [1], [0], [0], [0, 0, 1, 0], [], []>, transpose_lhs_hint = false} : vector<2000x128xf32>, vector<64x128xf32>, vector<2000x64xf32> -> vector<2000x64xf32>
    %swap3A_13 = arith.constant 0 : index
    %swap3A_14 = arith.constant 0 : index
    %swap3A_15 = vector.load %arg5[%swap3A_13, %swap3A_14] : memref<2000x64xf32, #tpu.memory_space<vmem>>, vector<2000x64xf32>
    tpu.vector_store %arg5[%swap3A_13, %swap3A_14], %dot_general3A_12 {strides = array<i32>} : memref<2000x64xf32, #tpu.memory_space<vmem>>, vector<2000x64xf32>,
    return
  }
  func.func @transform_0(%arg0: i32) -> (i32, i32) {
    %c0_i32 = arith.constant 0 : i32
    %c0_i32_0 = arith.constant 0 : i32
    return %arg0, %c0_i32 : i32, i32
  }
  func.func @transform_1(%arg0: i32) -> (i32, i32) {
    %c0_i32 = arith.constant 0 : i32
    %c0_i32_0 = arith.constant 0 : i32
    %c0_i32_1 = arith.constant 0 : i32
    return %c0_i32, %c0_i32_0 : i32, i32
  }
  func.func @transform_2(%arg0: i32) -> (i32, i32) {
    %c0_i32 = arith.constant 0 : i32
    %c0_i32_0 = arith.constant 0 : i32
    %c0_i32_1 = arith.constant 0 : i32
    return %c0_i32, %c0_i32_0 : i32, i32
  }
  func.func @transform_3(%arg0: i32) -> (i32, i32) {
    %c0_i32 = arith.constant 0 : i32
    %c0_i32_0 = arith.constant 0 : i32
    return %arg0, %c0_i32 : i32, i32
  }
  func.func @transform_4(%arg0: i32) -> (i32, i32) {
    %c0_i32 = arith.constant 0 : i32
    %c0_i32_0 = arith.constant 0 : i32
    return %arg0, %c0_i32 : i32, i32
  }
}

module attributes {stable_mosaic.version = 14 : i64} {
  func.func @_tc_mid_body(%arg0: i32, %arg1: memref<1x2000x64xf32, #tpu.memory_space<vmem>>, %arg2: memref<1x2000x16xf32, #tpu.memory_space<vmem>>, %arg3: memref<2000x64xf32, #tpu.memory_space<vmem>>, %arg4: memref<1x64xf32, #tpu.memory_space<vmem>>, %arg5: memref<16x64xf32, #tpu.memory_space<vmem>>, %arg6: memref<16x64xf32, #tpu.memory_space<vmem>>, %arg7: memref<2000x16xf32, #tpu.memory_space<vmem>>, %arg8: memref<2000x16xf32, #tpu.memory_space<vmem>>) attributes {dimension_semantics = [#tpu.dimension_semantics<arbitrary>], iteration_bounds = array<i64: 5>, scalar_prefetch = 0 : i64, scratch_operands = 0 : i64, tpu.core_type = #tpu.core_type<tc>, window_params = [{transform_indices = @transform_0, window_bounds = array<i64: 1, 2000, 64>}, {transform_indices = @transform_1, window_bounds = array<i64: 1, 2000, 16>}, {transform_indices = @transform_2, window_bounds = array<i64: 2000, 64>}, {pipeline_mode = #tpu.pipeline_mode<synchronous>, transform_indices = @transform_3, window_bounds = array<i64: 1, 64>}, {pipeline_mode = #tpu.pipeline_mode<synchronous>, transform_indices = @transform_4, window_bounds = array<i64: 16, 64>}, {pipeline_mode = #tpu.pipeline_mode<synchronous>, transform_indices = @transform_5, window_bounds = array<i64: 16, 64>}, {transform_indices = @transform_6, window_bounds = array<i64: 2000, 16>}, {transform_indices = @transform_7, window_bounds = array<i64: 2000, 16>}]} {
    %get3A = arith.constant 0 : index
    %get3A_0 = arith.constant 0 : index
    %get3A_1 = arith.constant 0 : index
    %get3A_2 = vector.load %arg1[%get3A, %get3A_0, %get3A_1] : memref<1x2000x64xf32, #tpu.memory_space<vmem>>, vector<1x2000x64xf32>
    %get3A_3 = vector.shape_cast %get3A_2 : vector<1x2000x64xf32> to vector<2000x64xf32>
    %get3A_4 = arith.constant 0 : index
    %get3A_5 = arith.constant 0 : index
    %get3A_6 = arith.constant 0 : index
    %get3A_7 = vector.load %arg2[%get3A_4, %get3A_5, %get3A_6] : memref<1x2000x16xf32, #tpu.memory_space<vmem>>, vector<1x2000x16xf32>
    %get3A_8 = vector.shape_cast %get3A_7 : vector<1x2000x16xf32> to vector<2000x16xf32>
    %slice3A = vector.extract_strided_slice %get3A_8 {offsets = [0, 0], sizes = [2000, 1], strides = [1, 1]} : vector<2000x16xf32> to vector<2000x1xf32>
    %max3A = arith.constant 1.000000e+00 : f32
    %max3A_9 = vector.broadcast %max3A : f32 to vector<2000x1xf32>
    %max3A_10 = arith.maximumf %slice3A, %max3A_9 : vector<2000x1xf32>
    %div3A = arith.constant 1.000000e+00 : f32
    %div3A_11 = vector.broadcast %div3A : f32 to vector<2000x1xf32>
    %div3A_12 = arith.divf %div3A_11, %max3A_10 : vector<2000x1xf32>
    %mul3A = vector.broadcast %div3A_12 : vector<2000x1xf32> to vector<2000x64xf32>
    %mul3A_13 = arith.mulf %get3A_3, %mul3A : vector<2000x64xf32>
    %get3A_14 = arith.constant 0 : index
    %get3A_15 = arith.constant 0 : index
    %get3A_16 = vector.load %arg4[%get3A_14, %get3A_15] : memref<1x64xf32, #tpu.memory_space<vmem>>, vector<1x64xf32>
    %add3A = vector.broadcast %get3A_16 : vector<1x64xf32> to vector<2000x64xf32>
    %add3A_17 = arith.addf %mul3A_13, %add3A : vector<2000x64xf32>
    %get3A_18 = arith.constant 0 : index
    %get3A_19 = arith.constant 0 : index
    %get3A_20 = vector.load %arg3[%get3A_18, %get3A_19] : memref<2000x64xf32, #tpu.memory_space<vmem>>, vector<2000x64xf32>
    %add3A_21 = arith.addf %add3A_17, %get3A_20 : vector<2000x64xf32>
    %max3A_22 = arith.constant 0.000000e+00 : f32
    %max3A_23 = vector.broadcast %max3A_22 : f32 to vector<2000x64xf32>
    %max3A_24 = arith.maximumf %add3A_21, %max3A_23 : vector<2000x64xf32>
    %get3A_25 = arith.constant 0 : index
    %get3A_26 = arith.constant 0 : index
    %get3A_27 = vector.load %arg5[%get3A_25, %get3A_26] : memref<16x64xf32, #tpu.memory_space<vmem>>, vector<16x64xf32>
    %dot_general3A = arith.constant dense<0.000000e+00> : vector<2000x16xf32>
    %dot_general3A_28 = tpu.matmul %max3A_24, %get3A_27, %dot_general3A {dimension_numbers = #tpu.dot_dimension_numbers<[1], [1], [0], [0], [0, 0, 1, 0], [], []>, transpose_lhs_hint = false} : vector<2000x64xf32>, vector<16x64xf32>, vector<2000x16xf32> -> vector<2000x16xf32>
    %swap3A = arith.constant 0 : index
    %swap3A_29 = arith.constant 0 : index
    %swap3A_30 = vector.load %arg7[%swap3A, %swap3A_29] : memref<2000x16xf32, #tpu.memory_space<vmem>>, vector<2000x16xf32>
    tpu.vector_store %arg7[%swap3A, %swap3A_29], %dot_general3A_28 {strides = array<i32>} : memref<2000x16xf32, #tpu.memory_space<vmem>>, vector<2000x16xf32>,
    %get3A_31 = arith.constant 0 : index
    %get3A_32 = arith.constant 0 : index
    %get3A_33 = vector.load %arg6[%get3A_31, %get3A_32] : memref<16x64xf32, #tpu.memory_space<vmem>>, vector<16x64xf32>
    %dot_general3A_34 = arith.constant dense<0.000000e+00> : vector<2000x16xf32>
    %dot_general3A_35 = tpu.matmul %max3A_24, %get3A_33, %dot_general3A_34 {dimension_numbers = #tpu.dot_dimension_numbers<[1], [1], [0], [0], [0, 0, 1, 0], [], []>, transpose_lhs_hint = false} : vector<2000x64xf32>, vector<16x64xf32>, vector<2000x16xf32> -> vector<2000x16xf32>
    %swap3A_36 = arith.constant 0 : index
    %swap3A_37 = arith.constant 0 : index
    %swap3A_38 = vector.load %arg8[%swap3A_36, %swap3A_37] : memref<2000x16xf32, #tpu.memory_space<vmem>>, vector<2000x16xf32>
    tpu.vector_store %arg8[%swap3A_36, %swap3A_37], %dot_general3A_35 {strides = array<i32>} : memref<2000x16xf32, #tpu.memory_space<vmem>>, vector<2000x16xf32>,
    return
  }
  func.func @transform_0(%arg0: i32) -> (i32, i32, i32) {
    %c0_i32 = arith.constant 0 : i32
    %c0_i32_0 = arith.constant 0 : i32
    %c0_i32_1 = arith.constant 0 : i32
    return %c0_i32, %arg0, %c0_i32_0 : i32, i32, i32
  }
  func.func @transform_1(%arg0: i32) -> (i32, i32, i32) {
    %c1_i32 = arith.constant 1 : i32
    %c0_i32 = arith.constant 0 : i32
    %c0_i32_0 = arith.constant 0 : i32
    return %c1_i32, %arg0, %c0_i32 : i32, i32, i32
  }
  func.func @transform_2(%arg0: i32) -> (i32, i32) {
    %c0_i32 = arith.constant 0 : i32
    %c0_i32_0 = arith.constant 0 : i32
    return %arg0, %c0_i32 : i32, i32
  }
  func.func @transform_3(%arg0: i32) -> (i32, i32) {
    %c0_i32 = arith.constant 0 : i32
    %c0_i32_0 = arith.constant 0 : i32
    %c0_i32_1 = arith.constant 0 : i32
    return %c0_i32, %c0_i32_0 : i32, i32
  }
  func.func @transform_4(%arg0: i32) -> (i32, i32) {
    %c0_i32 = arith.constant 0 : i32
    %c0_i32_0 = arith.constant 0 : i32
    %c0_i32_1 = arith.constant 0 : i32
    return %c0_i32, %c0_i32_0 : i32, i32
  }
  func.func @transform_5(%arg0: i32) -> (i32, i32) {
    %c0_i32 = arith.constant 0 : i32
    %c0_i32_0 = arith.constant 0 : i32
    %c0_i32_1 = arith.constant 0 : i32
    return %c0_i32, %c0_i32_0 : i32, i32
  }
  func.func @transform_6(%arg0: i32) -> (i32, i32) {
    %c0_i32 = arith.constant 0 : i32
    %c0_i32_0 = arith.constant 0 : i32
    return %arg0, %c0_i32 : i32, i32
  }
  func.func @transform_7(%arg0: i32) -> (i32, i32) {
    %c0_i32 = arith.constant 0 : i32
    %c0_i32_0 = arith.constant 0 : i32
    return %arg0, %c0_i32 : i32, i32
  }
}

module attributes {stable_mosaic.version = 14 : i64} {
  func.func @_tc_post_body(%arg0: i32, %arg1: memref<2x2000x16xf32, #tpu.memory_space<vmem>>, %arg2: memref<1x2000x16xf32, #tpu.memory_space<vmem>>, %arg3: memref<2000x16xf32, #tpu.memory_space<vmem>>, %arg4: memref<1x16xf32, #tpu.memory_space<vmem>>, %arg5: memref<2000x7xf32, #tpu.memory_space<vmem>>) attributes {dimension_semantics = [#tpu.dimension_semantics<arbitrary>], iteration_bounds = array<i64: 5>, scalar_prefetch = 0 : i64, scratch_operands = 0 : i64, tpu.core_type = #tpu.core_type<tc>, window_params = [{transform_indices = @transform_0, window_bounds = array<i64: 2, 2000, 16>}, {transform_indices = @transform_1, window_bounds = array<i64: 1, 2000, 16>}, {transform_indices = @transform_2, window_bounds = array<i64: 2000, 16>}, {pipeline_mode = #tpu.pipeline_mode<synchronous>, transform_indices = @transform_3, window_bounds = array<i64: 1, 16>}, {transform_indices = @transform_4, window_bounds = array<i64: 2000, 7>}]} {
    %get3A = arith.constant 0 : index
    %get3A_0 = arith.constant 0 : index
    %get3A_1 = arith.constant 0 : index
    %get3A_2 = vector.load %arg1[%get3A, %get3A_0, %get3A_1] : memref<2x2000x16xf32, #tpu.memory_space<vmem>>, vector<1x2000x16xf32>
    %get3A_3 = vector.shape_cast %get3A_2 : vector<1x2000x16xf32> to vector<2000x16xf32>
    %get3A_4 = arith.constant 1 : index
    %get3A_5 = arith.constant 0 : index
    %get3A_6 = arith.constant 0 : index
    %get3A_7 = vector.load %arg1[%get3A_4, %get3A_5, %get3A_6] : memref<2x2000x16xf32, #tpu.memory_space<vmem>>, vector<1x2000x16xf32>
    %get3A_8 = vector.shape_cast %get3A_7 : vector<1x2000x16xf32> to vector<2000x16xf32>
    %add3A = arith.addf %get3A_3, %get3A_8 : vector<2000x16xf32>
    %get3A_9 = arith.constant 0 : index
    %get3A_10 = arith.constant 0 : index
    %get3A_11 = arith.constant 0 : index
    %get3A_12 = vector.load %arg2[%get3A_9, %get3A_10, %get3A_11] : memref<1x2000x16xf32, #tpu.memory_space<vmem>>, vector<1x2000x16xf32>
    %get3A_13 = vector.shape_cast %get3A_12 : vector<1x2000x16xf32> to vector<2000x16xf32>
    %slice3A = vector.extract_strided_slice %get3A_13 {offsets = [0, 0], sizes = [2000, 1], strides = [1, 1]} : vector<2000x16xf32> to vector<2000x1xf32>
    %max3A = arith.constant 1.000000e+00 : f32
    %max3A_14 = vector.broadcast %max3A : f32 to vector<2000x1xf32>
    %max3A_15 = arith.maximumf %slice3A, %max3A_14 : vector<2000x1xf32>
    %div3A = arith.constant 1.000000e+00 : f32
    %div3A_16 = vector.broadcast %div3A : f32 to vector<2000x1xf32>
    %div3A_17 = arith.divf %div3A_16, %max3A_15 : vector<2000x1xf32>
    %mul3A = vector.broadcast %div3A_17 : vector<2000x1xf32> to vector<2000x16xf32>
    %mul3A_18 = arith.mulf %add3A, %mul3A : vector<2000x16xf32>
    %get3A_19 = arith.constant 0 : index
    %get3A_20 = arith.constant 0 : index
    %get3A_21 = vector.load %arg4[%get3A_19, %get3A_20] : memref<1x16xf32, #tpu.memory_space<vmem>>, vector<1x16xf32>
    %add3A_22 = vector.broadcast %get3A_21 : vector<1x16xf32> to vector<2000x16xf32>
    %add3A_23 = arith.addf %mul3A_18, %add3A_22 : vector<2000x16xf32>
    %get3A_24 = arith.constant 0 : index
    %get3A_25 = arith.constant 0 : index
    %get3A_26 = vector.load %arg3[%get3A_24, %get3A_25] : memref<2000x16xf32, #tpu.memory_space<vmem>>, vector<2000x16xf32>
    %add3A_27 = arith.addf %add3A_23, %get3A_26 : vector<2000x16xf32>
    %slice3A_28 = vector.extract_strided_slice %add3A_27 {offsets = [0, 0], sizes = [2000, 7], strides = [1, 1]} : vector<2000x16xf32> to vector<2000x7xf32>
    %reduce_max3A = arith.constant dense<0xFF800000> : vector<2000xf32>
    %reduce_max3A_29 = vector.multi_reduction <maximumf>, %slice3A_28, %reduce_max3A [1] : vector<2000x7xf32> to vector<2000xf32>
    %broadcast_in_dim3A = vector.shape_cast %reduce_max3A_29 : vector<2000xf32> to vector<2000x1xf32>
    %sub3A = vector.broadcast %broadcast_in_dim3A : vector<2000x1xf32> to vector<2000x7xf32>
    %sub3A_30 = arith.subf %slice3A_28, %sub3A : vector<2000x7xf32>
    %exp3A = math.exp %sub3A_30 : vector<2000x7xf32>
    %reduce_sum3A = arith.constant dense<0.000000e+00> : vector<2000xf32>
    %reduce_sum3A_31 = vector.multi_reduction <add>, %exp3A, %reduce_sum3A [1] : vector<2000x7xf32> to vector<2000xf32>
    %broadcast_in_dim3A_32 = vector.shape_cast %reduce_sum3A_31 : vector<2000xf32> to vector<2000x1xf32>
    %log3A = math.log %broadcast_in_dim3A_32 : vector<2000x1xf32>
    %sub3A_33 = vector.broadcast %broadcast_in_dim3A : vector<2000x1xf32> to vector<2000x7xf32>
    %sub3A_34 = arith.subf %slice3A_28, %sub3A_33 : vector<2000x7xf32>
    %sub3A_35 = vector.broadcast %log3A : vector<2000x1xf32> to vector<2000x7xf32>
    %sub3A_36 = arith.subf %sub3A_34, %sub3A_35 : vector<2000x7xf32>
    %swap3A = arith.constant 0 : index
    %swap3A_37 = arith.constant 0 : index
    %swap3A_38 = vector.load %arg5[%swap3A, %swap3A_37] : memref<2000x7xf32, #tpu.memory_space<vmem>>, vector<2000x7xf32>
    tpu.vector_store %arg5[%swap3A, %swap3A_37], %sub3A_36 {strides = array<i32>} : memref<2000x7xf32, #tpu.memory_space<vmem>>, vector<2000x7xf32>,
    return
  }
  func.func @transform_0(%arg0: i32) -> (i32, i32, i32) {
    %c0_i32 = arith.constant 0 : i32
    %c0_i32_0 = arith.constant 0 : i32
    %c0_i32_1 = arith.constant 0 : i32
    return %c0_i32, %arg0, %c0_i32_0 : i32, i32, i32
  }
  func.func @transform_1(%arg0: i32) -> (i32, i32, i32) {
    %c1_i32 = arith.constant 1 : i32
    %c0_i32 = arith.constant 0 : i32
    %c0_i32_0 = arith.constant 0 : i32
    return %c1_i32, %arg0, %c0_i32 : i32, i32, i32
  }
  func.func @transform_2(%arg0: i32) -> (i32, i32) {
    %c0_i32 = arith.constant 0 : i32
    %c0_i32_0 = arith.constant 0 : i32
    return %arg0, %c0_i32 : i32, i32
  }
  func.func @transform_3(%arg0: i32) -> (i32, i32) {
    %c0_i32 = arith.constant 0 : i32
    %c0_i32_0 = arith.constant 0 : i32
    %c0_i32_1 = arith.constant 0 : i32
    return %c0_i32, %c0_i32_0 : i32, i32
  }
  func.func @transform_4(%arg0: i32) -> (i32, i32) {
    %c0_i32 = arith.constant 0 : i32
    %c0_i32_0 = arith.constant 0 : i32
    return %arg0, %c0_i32 : i32, i32
  }
}

</mosaic_0001>

<sc_bundles>
// kernel: kernel.10.cloned.1.call-start
scs
__scs_entry_jumppad:
0x0: {  	(pc) =	sbr.rel $0x88, $3  }
0x1: {  	(tag) =	ssettag $0x0;
	lr =	simm.s32 $0x1  }
0x2: {  	[smem:$0x3F99] =	sst lr;
	_ =	strace $0xD0000000  }
0x3: {  	_ = 	snop  }
0x4: {  	_ = 	snop  }
0x5: {  	_ = 	snop  }
0x6: {  	_ = 	snop  }
0x7: {  	_ = 	snop  }
__scs_overlays_trampoline_lowered:
0x8: {  	[smem:$0x3FA8] =	sst s0  }
0x9: {  	[smem:$0x3FA9] =	sst s1  }
0xa: {  	[smem:$0x3FAA] =	sst s2  }
0xb: {  	[smem:$0x3FAB] =	sst s3  }
0xc: {  	[smem:$0x3FAC] =	sst s4  }
0xd: {  	[smem:$0x3FAD] =	sst s5  }
0xe: {  	[smem:$0x3FAE] =	sst s6  }
0xf: {  	[smem:$0x3FAF] =	sst s7  }
0x10: {  	[smem:$0x3FB0] =	sst s8  }
0x11: {  	[smem:$0x3FB1] =	sst s9;
	s0 =	simm.s32 @!p0 $0x0  }
0x12: {  	s1 =	sld [smem:$0x3F97];
	s0 =	simm.s32 @p0 $0x1  }
0x13: {  	[smem:$0x3FB2] =	sst s0;
	s0 =	simm.s32 @!p1 $0x0  }
0x14: {  	s2 =	sld [smem:$0x3F96];
	s0 =	simm.s32 @p1 $0x1  }
0x15: {  	[smem:$0x3FB3] =	sst s0;
	s0 =	simm.s32 @!p2 $0x0  }
0x16: {  	s3 =	sld [smem:$0x3FDB];
	s0 =	simm.s32 @p2 $0x1  }
0x17: {  	s4 =	simm.s32 $0x1BF5;
	[smem:$0x3FB5] =	sst s0  }
0x18: {  	s0 =	sld [smem:$0x3F98];
	_ =	swait.ge [sflag:s4], $0x0  }
0x19: {  	s7 =	sld [smem:$0x3F99]  }
0x1a: {  	s8 =	sadd.s32 $0xFFFFE003, lr  }
0x1b: {  	s9 =	sadd.s32 $0xFFFFFEF7, lr;
	s5 =	simm.s32 $0xFFFFFFFF;
	p2 =	slt.u32 s8, $0xFFFFF086  }
0x1c: {  	p1 =	slt.u32 s9, $0xF7A;
	s5 =	simm.s32 @!p2 $0x0  }
0x1d: {  	s5 =	simm.s32 @p1 $0x1;
	p0 =	seq.s32 s7, s2  }
0x1e: {  	s7 =	smul.u32 @!p0 $0xF7A, s2;
	p2 =	seq.s32 @!p0 s5, $0x0  }
0x1f: {  	s9 =	smul.u32 $0xF7A, s1;
	s8 =	simm.s32 @!p0 $0x1BF5;
	p2 =	por !p2, p0  }
0x20: {  	[sflag:s8] =	ssyncset.s32 @!p0 $0xFFFFF086;
	s6 =	sadd.s32 @!p0 s3, s7;
	s7 =	simm.s32 @!p0 $0x108  }
0x21: {  	s3 =	sadd.s32 s3, s9;
	s6 =	sadd.s32 @!p0 $0x88, s6;
	s7 =	simm.s32 @p2 $0x1082  }
0x22: {  	[simem:s7], [sflag:s8] =	dma.local @!p0 [hbm:s6], $0xF7A  }
0x23: {  	s9 =	sor.u32 $0xD0000000, s2;
	s6 =	simm.s32 $0x108;
	_ =	swait.ge @!p0 [sflag:s8], $0x0  }
0x24: {  	s3 =	sadd.s32 $0x88, s3;
	s6 =	simm.s32 @!p1 $0x1082;
	[sflag:s4] =	ssyncset.s32 $0xFFFFF086  }
0x25: {  	[simem:s6], [sflag:s4] =	dma.local [hbm:s3], $0xF7A  }
0x26: {  	[smem:$0x3F99] =	sst s1;
	(tag) =	ssettag s2;
	_ =	strace s9  }
0x27: {  	s1 =	sld [smem:$0x3FA9]  }
0x28: {  	s2 =	sld [smem:$0x3FAA]  }
0x29: {  	s4 =	sld [smem:$0x3FAC]  }
0x2a: {  	p0 =	seq.s32 s5, $0x0;
	s5 =	sld [smem:$0x3FAD]  }
0x2b: {  	s6 =	sld [smem:$0x3FAE]  }
0x2c: {  	s7 =	sld [smem:$0x3FAF]  }
0x2d: {  	s3 =	simm.s32 $0x108;
	s8 =	sld [smem:$0x3FB0]  }
0x2e: {  	s3 =	simm.s32 @!p0 $0x1082;
	s9 =	sld [smem:$0x3FB1]  }
0x2f: {  	lr =	sadd.s32 s0, s3;
	s0 =	sld [smem:$0x3FA8]  }
0x30: {  	s3 =	sld [smem:$0x3FAB]  }
0x31: {  	[smem:$0x3FB4] =	sst s10  }
0x32: {  	s10 =	sld [smem:$0x3FB2];
	_ =	sdelay $0x3  }
0x33: {  	p0 =	seq.s32 s10, $0x1;
	s10 =	sld [smem:$0x3FB4];
	_ =	sdelay $0x3  }
0x34: {  	[smem:$0x3FB4] =	sst s10  }
0x35: {  	s10 =	sld [smem:$0x3FB3];
	_ =	sdelay $0x3  }
0x36: {  	p1 =	seq.s32 s10, $0x1;
	s10 =	sld [smem:$0x3FB4];
	_ =	sdelay $0x3  }
0x37: {  	[smem:$0x3FB4] =	sst s10  }
0x38: {  	s10 =	sld [smem:$0x3FB5]  }
0x39: {  	_ = 	snop;
	(pc) =	sbr.ind lr, $3  }
0x3a: {  	_ = 	snop  }
0x3b: {  	_ = 	snop  }
0x3c: {  	p2 =	seq.s32 s10, $0x1;
	s10 =	sld [smem:$0x3FB4]  }
0x3d: {  	_ =	shalt  }
0x3e: {  	_ =	shalt  }
0x3f: {  	_ =	shalt  }
0x40: {  	_ =	shalt  }
0x41: {  	_ =	shalt  }
0x42: {  	_ =	shalt  }
0x43: {  	_ =	shalt  }
0x44: {  	_ =	shalt  }
0x45: {  	_ =	shalt  }
0x46: {  	_ =	shalt  }
0x47: {  	_ =	shalt  }
0x48: {  	_ =	shalt  }
0x49: {  	_ =	shalt  }
0x4a: {  	_ =	shalt  }
0x4b: {  	_ =	shalt  }
0x4c: {  	_ =	shalt  }
0x4d: {  	_ =	shalt  }
0x4e: {  	_ =	shalt  }
0x4f: {  	_ =	shalt  }
0x50: {  	_ =	shalt  }
0x51: {  	_ =	shalt  }
0x52: {  	_ =	shalt  }
0x53: {  	_ =	shalt  }
0x54: {  	_ =	shalt  }
0x55: {  	_ =	shalt  }
0x56: {  	_ =	shalt  }
0x57: {  	_ =	shalt  }
0x58: {  	_ =	shalt  }
0x59: {  	_ =	shalt  }
0x5a: {  	_ =	shalt  }
0x5b: {  	_ =	shalt  }
0x5c: {  	_ =	shalt  }
0x5d: {  	_ =	shalt  }
0x5e: {  	_ =	shalt  }
0x5f: {  	_ =	shalt  }
0x60: {  	_ =	shalt  }
0x61: {  	_ =	shalt  }
0x62: {  	_ =	shalt  }
0x63: {  	_ =	shalt  }
0x64: {  	_ =	shalt  }
0x65: {  	_ =	shalt  }
0x66: {  	_ =	shalt  }
0x67: {  	_ =	shalt  }
0x68: {  	_ =	shalt  }
0x69: {  	_ =	shalt  }
0x6a: {  	_ =	shalt  }
0x6b: {  	_ =	shalt  }
0x6c: {  	_ =	shalt  }
0x6d: {  	_ =	shalt  }
0x6e: {  	_ =	shalt  }
0x6f: {  	_ =	shalt  }
0x70: {  	_ =	shalt  }
0x71: {  	_ =	shalt  }
0x72: {  	_ =	shalt  }
0x73: {  	_ =	shalt  }
0x74: {  	_ =	shalt  }
0x75: {  	_ =	shalt  }
0x76: {  	_ =	shalt  }
0x77: {  	_ =	shalt  }
0x78: {  	_ =	shalt  }
0x79: {  	_ =	shalt  }
0x7a: {  	_ =	shalt  }
0x7b: {  	_ =	shalt  }
0x7c: {  	_ =	shalt  }
0x7d: {  	_ =	shalt  }
0x7e: {  	_ =	shalt  }
0x7f: {  	_ =	shalt  }
0x80: {  	_ =	shalt  }
0x81: {  	_ =	shalt  }
0x82: {  	_ =	shalt  }
0x83: {  	_ =	shalt  }
0x84: {  	_ =	shalt  }
0x85: {  	_ =	shalt  }
0x86: {  	_ =	shalt  }
0x87: {  	_ =	shalt  }
.Lfunc_end0:
.L_simem_size_0:
called_computation.1_lowered:
.L_overlay_start_0:
0x88: {  	s2 =	sld [smem:$0x3FD9]  }
0x89: {  	s3 =	sld [smem:$0x3FFE];
	_ =	sdelay $0x1  }
0x8a: {  	s1 =	srdreg.scid  }
0x8b: {  	s0 =	sand.u32 $0x1, s1  }
0x8c: {  	s16 =	sshll.u32 s0, $0xA;
	s2 =	sadd.s32 s3, s2  }
0x8d: {  	s2 =	sadd.s32 s2, s16  }
0x8e: {  	[smem:$0x3FC0] =	sst s2  }
0x8f: {  	_ = 	snop  }
0x90: {  	(tm) =	ssettm $0x1  }
0x91: {  	s17 =	sld [smem:$0x3FFB];
	_ =	sdelay $0x3  }
0x92: {  	_ =	strace s17  }
0x93: {  	s2 =	sld [smem:$0x3FFC];
	_ =	sdelay $0x3  }
0x94: {  	_ =	strace s2  }
0x95: {  	s2 =	sld [smem:$0x3FFD];
	_ =	sdelay $0x3  }
0x96: {  	_ =	strace s2  }
0x97: {  	_ =	strace $0x8FFFFFFF  }
0x98: {  	s18 =	sld [smem:$0x3FDB];
	_ =	sdelay $0x1  }
0x99: {  	s19 =	simm.s32 $_scs_section_size  }
0x9a: {  	s4 =	simm.s32 $_size__tile_overlayer_lowered;
	s5 =	simm.s32 $_tile_overlayer_lowered  }
0x9b: {  	s22 =	simm.s32 $0x1BFF;
	s21 =	sshll.u32 s5, $0x1;
	s2 =	sadd.s32 s19, s18  }
0x9c: {  	s6 =	simm.s32 $0x0;
	s20 =	sshll.u32 s4, $0x1;
	s4 =	sadd.s32 s21, s2  }
0x9d: {  	[timem:s6], [sflag:s22] =	dma.local [hbm:s4], s20  }
0x9e: {  	_ =	swait.ge [sflag:s22], s20  }
0x9f: {  	s3 =	ssub.s32 $0x0, s20;
	[sflag:s22] =	ssyncset.done $0x0  }
0xa0: {  	[sflag:s22] =	ssyncadd.s32 s3;
	_ =	sdelay $0x1  }
0xa1: {  	s23 =	simm.s32 $0x1B8B  }
0xa2: {  	_ =	swait.ge [sflag:s23], $0x1  }
0xa3: {  	[sflag:s23] =	ssyncset.done $0x0  }
0xa4: {  	s25 =	simm.s32 $0x1B8E;
	s24 =	sld [smem:$0x3FFE];
	[sflag:s23] =	ssyncadd.s32 $0xFFFFFFFF  }
0xa5: {  	s26 =	simm.s32 $execute0_lowered;
	[smem:$0x3FD2] =	sst s25  }
0xa6: {  	s4 =	sshll.u32 s26, $0x1;
	_ =	strace $0x80000049;
	[dreg:$0x1] =	wrdreg $0xFFFFFFFF  }
0xa7: {  	s28 =	simm.s32 $_size_execute0_lowered;
	s2 =	sadd.s32 s2, s4;
	[dreg:$0x0] =	wrdreg $0x0  }
0xa8: {  	s4 =	sshll.u32 s28, $0x1;
	[dreg:$0x2] =	wrdreg s2  }
0xa9: {  	[dreg:$0x3] =	wrdreg s4  }
0xaa: {  	[dreg:$0x4] =	wrdreg $0xC0  }
0xab: {  	_ =	task [dreg:s6], $0x5FFFF  }
0xac: {  	[dreg:$0x1] =	wrdreg $0xFFFFFFFF  }
0xad: {  	[dreg:$0x0] =	wrdreg $0x60  }
0xae: {  	[dreg:$0x2] =	wrdreg s24  }
0xaf: {  	[dreg:$0x3] =	wrdreg $0x98000  }
0xb0: {  	[dreg:$0x4] =	wrdreg $0x9  }
0xb1: {  	_ =	task.clear_ibuf [dreg:s6], $0x5FFFF;
	_ =	strace $0x90000049  }
0xb2: {  	s29 =	simm.s32 $0x9;
	_ =	strace $0x8000004B  }
0xb3: {  	_ =	swait.ge [sflag:s29], $0x1  }
0xb4: {  	[sflag:s29] =	ssyncadd.s32 $0xFFFFFFFF  }
0xb5: {  	_ =	strace $0x9000004B  }
0xb6: {  	_ =	sfence  }
0xb7: {  	s30 =	sld [smem:$0x0];
	_ =	sdelay $0x2  }
0xb8: {  	s31 =	sshll.u32 s1, $0xD;
	s1 =	sshrl.u32 s1, $0x2  }
0xb9: {  	s3 =	sand.u32 $0x4000, s31;
	s1 =	sadd.s32 s1, s30  }
0xba: {  	s0 =	sor.u32 s3, s0;
	s1 =	sshll.u32 s1, $0x11  }
0xbb: {  	s0 =	sor.u32 s1, s0  }
0xbc: {  	s0 =	sadd.s32 $0x8F2B, s0  }
0xbd: {  	[sflag:s0] =	ssyncadd.remote.s32 $0x1  }
0xbe: {  	_ =	sfence.sel $0xFFFF  }
0xbf: {  	[dreg:$0x0] =	wrdreg $0xFFFFFFFF;
	(pc) =	sbr.abs _section_cstart, $3  }
0xc0: {  	[dreg:$0x1] =	wrdreg $0xFFFFFFFF  }
0xc1: {  	_ =	task.clear_ibuf [dreg:s6], $0x2FFFF;
	_ =	strace $0x9FFFFFFF  }
0xc2: {  	(tm) =	ssettm $0x7FFFFFFF  }
0xc3: {  	_ =	shalt  }
tec
execute0_lowered:
.L_overlay_start_1:
0x0: {  	(tag) =	ssettag $0x1  }
0x1: {  	s0 =	rddreg [dreg:$0x0]  }
0x2: {  	s2 =	rddreg [dreg:$0x1]  }
0x3: {  	s3 =	simm.s32 $0x0;
	s1 =	srdreg.scid;
	s13 =	stileid.u32  }
0x4: {  	s14 =	simm.s32 $0x9;
	s19 =	simm.s32 $0x80;
	s20 =	simm.s32 $0x7800  }
0x5: {  	s21 =	simm.s32 $0x8000;
	s22 =	simm.s32 $0x1;
	s30 =	simm.s32 $0x0  }
0x6: {  	[smem:$0x7FF] =	sst s3;
	s1 =	sand.u32 $0x1, s1;
	s23 =	smul.u32 $0x2780, s13  }
0x7: {  	s4 =	sadd.s32 $0x1800, s0;
	s9 =	sadd.s32 $0x1F000, s0;
	s8 =	smul.u32 $0x9E00, s13  }
0x8: {  	s10 =	sadd.s32 $0x15200, s0;
	s25 =	sshll.u32 s13, $0x6;
	s26 =	smul.u32 $0x1300, s13  }
0x9: {  	s29 =	smul.u32 $0x780, s13;
	_ =	strace $0x8000004A;
	s7 =	ssub.s32 $0x2, s1  }
0xa: {  	s5 =	smul.u32 $0x27800, s1;
	p0 =	sne.s32 s1, $0x0;
	s11 =	sshrl.u32 s7, $0x1  }
0xb: {  	s24 =	sshrl.u32 s8, $0x2;
	s3 =	sadd.s32 s23, s2;
	s28 =	sshrl.u32 s26, $0x3  }
0xc: {  	s6 =	sadd.s32 s23, s5;
	s5 =	sadd.s32 $0x28E00, s0;
	s12 =	ssub.s32 s7, s11  }
0xd: {  	s8 =	sadd.s32 s24, s2;
	s31 =	sadd.s32 $0x7800, s28;
	s13 =	sshrl.u32 s3, $0x3  }
0xe: {  	s6 =	sshrl.u32 s6, $0x3;
	s15 =	sadd.s32 $0x800, s8;
	s16 =	sadd.s32 $0x1000, s8  }
0xf: {  	s17 =	sadd.s32 $0x1800, s8;
	s18 =	sadd.s32 $0x2000, s8;
	s7 =	sadd.s32 s9, s31  }
0x10: {  	s8 =	sadd.s32 s10, s31;
	s9 =	sadd.s32 s9, s29;
	s10 =	sadd.s32 s10, s29  }
0x11: {  	s12 =	smax.u32 s12, $0x1;
	s0 =	sadd.s32 s6, s0;
	s6 =	sor.u32 $0x1C09, s25  }
0x12: {  	[dreg:$0x3] =	wrdreg s7;
	s15 =	sshrl.u32 s15, $0x3;
	s16 =	sshrl.u32 s16, $0x3  }
0x13: {  	s17 =	sshrl.u32 s17, $0x3;
	s18 =	sshrl.u32 s18, $0x3;
	s11 =	sadd.s32 $0x6800, s0  }
.LBB2_1:
0x14: {  	[spmem:s13], [sflag:s6] =	dma.local [hbm:s5], $0x100  }
0x15: {  	_ =	swait.ge [sflag:s14], $0x100  }
0x16: {  	[sflag:s14] =	ssyncset.done $0x0  }
0x17: {  	[sflag:s14] =	ssyncadd.s32 $0xFFFFFF00  }
0x18: {  	[spmem:s15], [sflag:s6] =	dma.local [hbm:s5], $0x100  }
0x19: {  	_ =	swait.ge [sflag:s14], $0x100  }
0x1a: {  	[sflag:s14] =	ssyncset.done $0x0  }
0x1b: {  	[sflag:s14] =	ssyncadd.s32 $0xFFFFFF00  }
0x1c: {  	[spmem:s16], [sflag:s6] =	dma.local [hbm:s5], $0x100  }
0x1d: {  	_ =	swait.ge [sflag:s14], $0x100  }
0x1e: {  	[sflag:s14] =	ssyncset.done $0x0  }
0x1f: {  	[sflag:s14] =	ssyncadd.s32 $0xFFFFFF00  }
0x20: {  	[spmem:s17], [sflag:s6] =	dma.local [hbm:s5], $0x100  }
0x21: {  	_ =	swait.ge [sflag:s14], $0x100  }
0x22: {  	[sflag:s14] =	ssyncset.done $0x0  }
0x23: {  	[sflag:s14] =	ssyncadd.s32 $0xFFFFFF00  }
0x24: {  	[spmem:s18], [sflag:s6] =	dma.local [hbm:s5], $0xF0  }
0x25: {  	_ =	swait.ge [sflag:s14], $0xF0  }
0x26: {  	[sflag:s14] =	ssyncset.done $0x0  }
0x27: {  	s0 =	simm.s32 @p0 $0x0;
	s1 =	rddreg [dreg:$0x3];
	[sflag:s14] =	ssyncadd.s32 $0xFFFFFF10  }
0x28: {  	[tilespmem:s0], [sflag:$0x9] =	stream.linear.gather @p0 [hbm4b:s1+s0], $0x1300, $0x38;
	[tilespmem:$0xBF80] =	vst v63  }
0x29: {  	s1 =	simm.s32 @p0 $0x9  }
0x2a: {  	_ =	swait.ge @p0 [sflag:s1], $0x1300  }
0x2b: {  	[sflag:s1] =	ssyncset.done @p0 $0x0  }
0x2c: {  	s3 =	simm.s32 @p0 $0x3C00;
	[sflag:s1] =	ssyncadd.s32 @p0 $0xFFFFED00  }
0x2d: {  	[tilespmem:s3], [sflag:$0x9] =	stream.linear.gather @p0 [hbm4b:s8+s0], $0x1300, $0x38;
	[tilespmem:$0xBF80] =	vst v63  }
0x2e: {  	_ =	swait.ge @p0 [sflag:s1], $0x1300  }
0x2f: {  	[sflag:s1] =	ssyncset.done @p0 $0x0  }
0x30: {  	s0 =	simm.s32 @!p0 $0x0;
	[sflag:s1] =	ssyncadd.s32 @p0 $0xFFFFED00;
	s1 =	simm.s32 @!p0 $0x9  }
0x31: {  	[tilespmem:s0], [sflag:$0x9] =	stream.linear.gather @!p0 [hbm4b:s9+s0], $0x3C00, $0x38;
	[tilespmem:$0xBF80] =	vst v63  }
0x32: {  	_ =	swait.ge @!p0 [sflag:s1], $0x3C00  }
0x33: {  	[sflag:s1] =	ssyncset.done @!p0 $0x0  }
0x34: {  	s3 =	simm.s32 @!p0 $0x3C00;
	[sflag:s1] =	ssyncadd.s32 @!p0 $0xFFFFC400  }
0x35: {  	[tilespmem:s3], [sflag:$0x9] =	stream.linear.gather @!p0 [hbm4b:s10+s0], $0x3C00, $0x38;
	[tilespmem:$0xBF80] =	vst v63  }
0x36: {  	_ =	swait.ge @!p0 [sflag:s1], $0x3C00  }
0x37: {  	[sflag:s1] =	ssyncset.done @!p0 $0x0  }
0x38: {  	[sflag:s1] =	ssyncadd.s32 @!p0 $0xFFFFC400  }
0x39: {  	s29 =	simm.s32 $0x0;
	[bflag:$0x0] =	sbarrier.arrive $0xFFFF  }
0x3a: {  	[tilespmem:s20], [sflag:$0x1] =	stream.indirect.gather [hbm4b:s4+s19], $0x10, s29, s19, $0xb8;
	[tilespmem:$0xBF80] =	vst v63  }
0x3b: {  	_ = 	snop  }
0x3c: {  	[tilespmem:s21], [sflag:$0x2] =	stream.indirect.gather [hbm4b:s4+s19], $0x10, s19, s19, $0xb8;
	[tilespmem:$0xBF80] =	vst v63  }
0x3d: {  	_ =	swait.ge [sflag:s22], $0x800  }
0x3e: {  	[sflag:s22] =	ssyncset.done $0x0  }
0x3f: {  	s1 =	simm.s32 $0x3C00;
	[sflag:s22] =	ssyncadd.s32 $0xFFFFF800  }
0x40: {  	[spmem:s2] =	stream.indirect.scatter.add.f32 [tilespmem:s20], [sflag:$0x5], $0x10, s1, s19, $0xb8;
	[tilespmem:$0xBF80] =	vst v63  }
0x41: {  	s7 =	simm.s32 $0x8800;
	s23 =	simm.s32 $0x2;
	s3 =	simm.s32 $0x100  }
0x42: {  	[tilespmem:s7], [sflag:$0x3] =	stream.indirect.gather [hbm4b:s4+s19], $0x10, s3, s19, $0xb8;
	[tilespmem:$0xBF80] =	vst v63  }
0x43: {  	s24 =	simm.s32 $0x3C80;
	_ =	swait.ge [sflag:s23], $0x800  }
0x44: {  	s25 =	simm.s32 $0x180;
	s31 =	simm.s32 @!p0 $0x78;
	[sflag:s23] =	ssyncset.done $0x0  }
0x45: {  	s31 =	simm.s32 @p0 $0x26;
	[sflag:s23] =	ssyncadd.s32 $0xFFFFF800;
	s23 =	sand.u32 $0x3, s23  }
0x46: {  	[spmem:s2] =	stream.indirect.scatter.add.f32 [tilespmem:s21], [sflag:$0x6], $0x10, s24, s19, $0xb8;
	[tilespmem:$0xBF80] =	vst v63  }
0x47: {  	s26 =	simm.s32 $0x9000;
	p2 =	sne.s32 s31, $0x3;
	s24 =	sadd.s32 $0x1, s23  }
0x48: {  	[tilespmem:s26], [sflag:$0x4] =	stream.indirect.gather [hbm4b:s4+s19], $0x10, s25, s19, $0xb8;
	[tilespmem:$0xBF80] =	vst v63  }
0x49: {  	p1 =	sle.u32 s31, $0x4;
	s28 =	sxor.u32 $0x2, s23;
	_ =	swait.ge [sflag:s24], $0x800  }
0x4a: {  	s25 =	simm.s32 $0x3D00;
	s26 =	sshll.u32 s23, $0xB;
	[sflag:s24] =	ssyncset.done $0x0  }
0x4b: {  	s23 =	sadd.s32 $0x5, s23;
	s26 =	sadd.s32 $0x7800, s26;
	[sflag:s24] =	ssyncadd.s32 $0xFFFFF800  }
0x4c: {  	[spmem:s2] =	stream.indirect.scatter.add.f32 [tilespmem:s26], [sflag:s23], $0x10, s25, s19, $0xb8;
	[tilespmem:$0xBF80] =	vst v63  }
.Ltmp0:
0x4d: {  	s0 =	simm.s32 $0x200;
	s1 =	simm.s32 $0x3;
	(pc) =	sbr.rel @!p2 .LBB2_3-.Ltmp0, $4  }
0x4e: {  	s3 =	simm.s32 $0x3D80;
	s29 =	sadd.s32 $0x5, s28;
	s23 =	simm.s32 $0x4  }
0x4f: {  	_ =	swait.ge [sflag:s29], $0x800;
	s24 =	sand.u32 @!p1 $0x3, s23;
	s23 =	simm.s32 $0x280  }
0x50: {  	[sflag:s29] =	ssyncset.done $0x0;
	s26 =	sshll.u32 @!p1 s24, $0xB;
	s24 =	sadd.s32 @!p1 $0x1, s24  }
0x51: {  	[sflag:s29] =	ssyncadd.s32 $0xFFFFF800;
	s25 =	sadd.s32 @!p1 $0x7800, s26;
	s26 =	simm.s32 @!p1 $0x80  }
.LBB2_2:
0x52: {  	[tilespmem:s25], [sflag:s24] =	stream.indirect.gather @!p1 [hbm4b:s4+s26], $0x10, s0, s26, $0xb8;
	[tilespmem:$0xBF80] =	vst v63  }
0x53: {  	s24 =	smov.u32 s1;
	s25 =	smov.u32 s3;
	s0 =	smov.u32 s23  }
0x54: {  	s1 =	sadd.s32 $0x1, s1  }
0x55: {  	s3 =	sadd.s32 $0x80, s3;
	s26 =	sand.u32 $0x3, s24;
	p2 =	sne.s32 s31, s1  }
0x56: {  	s28 =	sshll.u32 s26, $0xB;
	s29 =	sadd.s32 $0x1, s26;
	s7 =	sxor.u32 $0x2, s26  }
0x57: {  	s24 =	sadd.s32 $0x2, s24;
	s7 =	sadd.s32 $0x5, s7;
	_ =	swait.ge [sflag:s29], $0x800  }
0x58: {  	s26 =	sadd.s32 $0x5, s26;
	p1 =	sge.u32 s24, s31;
	[sflag:s29] =	ssyncset.done $0x0  }
.Ltmp1:
0x59: {  	s28 =	sadd.s32 $0x7800, s28;
	[sflag:s29] =	ssyncadd.s32 $0xFFFFF800;
	(pc) =	sbr.rel @p2 .LBB2_2-.Ltmp1, $4  }
0x5a: {  	[spmem:s2] =	stream.indirect.scatter.add.f32 [tilespmem:s28], [sflag:s26], $0x10, s25, s19, $0xb8;
	[tilespmem:$0xBF80] =	vst v63  }
0x5b: {  	s23 =	sadd.s32 $0x80, s23;
	s24 =	sand.u32 @!p1 $0x3, s24;
	_ =	swait.ge [sflag:s7], $0x800  }
0x5c: {  	s25 =	sshll.u32 @!p1 s24, $0xB;
	s24 =	sadd.s32 @!p1 $0x1, s24;
	[sflag:s7] =	ssyncset.done $0x0  }
0x5d: {  	s26 =	simm.s32 @!p1 $0x80;
	s25 =	sadd.s32 @!p1 $0x7800, s25;
	[sflag:s7] =	ssyncadd.s32 $0xFFFFF800  }
.LBB2_3:
0x5e: {  	[tilespmem:s25], [sflag:s24] =	stream.indirect.gather @!p1 [hbm4b:s4+s26], $0x10, s0, s26, $0xb8;
	[tilespmem:$0xBF80] =	vst v63  }
0x5f: {  	s29 =	sxor.u32 $0xFFFFFFFF, s31  }
0x60: {  	s0 =	sand.u32 $0x2, s29  }
0x61: {  	s0 =	sor.u32 $0x5, s0  }
0x62: {  	s1 =	sadd.s32 $0xFFFFFFFF, s31;
	_ =	swait.ge [sflag:s0], $0x800  }
0x63: {  	s1 =	sand.u32 $0x3, s1;
	[sflag:s0] =	ssyncset.done $0x0  }
0x64: {  	s31 =	sadd.s32 $0x5, s1;
	[sflag:s0] =	ssyncadd.s32 $0xFFFFF800  }
0x65: {  	_ =	swait.ge [sflag:s31], $0x800  }
0x66: {  	s30 =	sadd.s32 $0x1, s30;
	[sflag:s31] =	ssyncset.done $0x0  }
0x67: {  	p1 =	sne.s32 s30, s12;
	[sflag:s31] =	ssyncadd.s32 $0xFFFFF800  }
.Ltmp2:
0x68: {  	[bflag:$0x0] =	sbarrier.arrive $0xFFFF;
	(pc) =	sbr.rel @p1 .LBB2_1-.Ltmp2, $4  }
0x69: {  	[hbm:s11], [sflag:s6] =	dma.local [spmem:s13], $0x4F0  }
0x6a: {  	_ =	swait.ge [sflag:s14], $0x4F0  }
0x6b: {  	[sflag:s14] =	ssyncset.done $0x0  }
0x6c: {  	[sflag:s14] =	ssyncadd.s32 $0xFFFFFB10  }
0x6d: {  	_ =	sfence.sel $0x180000  }
0x6e: {  	[bflag:$0x0] =	sbarrier.arrive $0xFFFF  }
0x6f: {  	_ =	strace $0x9000004A  }
0x70: {  	s0 =	stileid.u32;
	[bflag:$0x2] =	sbarrier.arrive $0xFFFF  }
0x71: {  	p0 =	sne.s32 s0, $0x0;
	s0 =	rddreg [dreg:$0x2]  }
0x72: {  	s0 =	sadd.s32 @!p0 $0x100000, s0  }
0x73: {  	[sflag:s0] =	ssyncadd.tile.s32 @!p0 $0x1;
	_ =	shalt  }
.Lfunc_end2:
_tile_overlayer_lowered:
.L_overlay_start_2:
0x74: {  	(tag) =	ssettag $0x2  }
0x75: {  	s0 =	rddreg [dreg:$0x0];
	s2 =	stileid.u32  }
0x76: {  	s1 =	rddreg [dreg:$0x1];
	p0 =	sne.s32 s2, $0x0  }
0x77: {  	s3 =	rddreg [dreg:$0x2];
	[bflag:$0x3] =	sbarrier.arrive $0xFFFF;
	s2 =	simm.s32 @!p0 $0x1C09  }
0x78: {  	[timem:s3], [sflag:s2] =	dma.local @!p0 [hbm:s0], s1  }
0x79: {  	s0 =	simm.s32 @!p0 $0x9  }
0x7a: {  	_ =	swait.ge @!p0 [sflag:s0], s1  }
0x7b: {  	s1 =	ssub.s32 @!p0 $0x0, s1;
	[sflag:s0] =	ssyncset.done @!p0 $0x0  }
0x7c: {  	[sflag:s0] =	ssyncadd.s32 @!p0 s1  }
0x7d: {  	[bflag:$0x3] =	sbarrier.arrive $0xFFFF  }
0x7e: {  	_ =	shalt  }

// kernel: kernel.7.cloned.1.call-start
scs
__scs_entry_jumppad:
0x0: {  	(pc) =	sbr.rel $0x88, $3  }
0x1: {  	(tag) =	ssettag $0x0;
	lr =	simm.s32 $0x1  }
0x2: {  	[smem:$0x3F99] =	sst lr;
	_ =	strace $0xD0000000  }
0x3: {  	_ = 	snop  }
0x4: {  	_ = 	snop  }
0x5: {  	_ = 	snop  }
0x6: {  	_ = 	snop  }
0x7: {  	_ = 	snop  }
__scs_overlays_trampoline_lowered:
0x8: {  	[smem:$0x3FA8] =	sst s0  }
0x9: {  	[smem:$0x3FA9] =	sst s1  }
0xa: {  	[smem:$0x3FAA] =	sst s2  }
0xb: {  	[smem:$0x3FAB] =	sst s3  }
0xc: {  	[smem:$0x3FAC] =	sst s4  }
0xd: {  	[smem:$0x3FAD] =	sst s5  }
0xe: {  	[smem:$0x3FAE] =	sst s6  }
0xf: {  	[smem:$0x3FAF] =	sst s7  }
0x10: {  	[smem:$0x3FB0] =	sst s8  }
0x11: {  	[smem:$0x3FB1] =	sst s9;
	s0 =	simm.s32 @!p0 $0x0  }
0x12: {  	s1 =	sld [smem:$0x3F97];
	s0 =	simm.s32 @p0 $0x1  }
0x13: {  	[smem:$0x3FB2] =	sst s0;
	s0 =	simm.s32 @!p1 $0x0  }
0x14: {  	s2 =	sld [smem:$0x3F96];
	s0 =	simm.s32 @p1 $0x1  }
0x15: {  	[smem:$0x3FB3] =	sst s0;
	s0 =	simm.s32 @!p2 $0x0  }
0x16: {  	s3 =	sld [smem:$0x3FDB];
	s0 =	simm.s32 @p2 $0x1  }
0x17: {  	s4 =	simm.s32 $0x1BF5;
	[smem:$0x3FB5] =	sst s0  }
0x18: {  	s0 =	sld [smem:$0x3F98];
	_ =	swait.ge [sflag:s4], $0x0  }
0x19: {  	s7 =	sld [smem:$0x3F99]  }
0x1a: {  	s8 =	sadd.s32 $0xFFFFE003, lr  }
0x1b: {  	s9 =	sadd.s32 $0xFFFFFEF7, lr;
	s5 =	simm.s32 $0xFFFFFFFF;
	p2 =	slt.u32 s8, $0xFFFFF086  }
0x1c: {  	p1 =	slt.u32 s9, $0xF7A;
	s5 =	simm.s32 @!p2 $0x0  }
0x1d: {  	s5 =	simm.s32 @p1 $0x1;
	p0 =	seq.s32 s7, s2  }
0x1e: {  	s7 =	smul.u32 @!p0 $0xF7A, s2;
	p2 =	seq.s32 @!p0 s5, $0x0  }
0x1f: {  	s9 =	smul.u32 $0xF7A, s1;
	s8 =	simm.s32 @!p0 $0x1BF5;
	p2 =	por !p2, p0  }
0x20: {  	[sflag:s8] =	ssyncset.s32 @!p0 $0xFFFFF086;
	s6 =	sadd.s32 @!p0 s3, s7;
	s7 =	simm.s32 @!p0 $0x108  }
0x21: {  	s3 =	sadd.s32 s3, s9;
	s6 =	sadd.s32 @!p0 $0x88, s6;
	s7 =	simm.s32 @p2 $0x1082  }
0x22: {  	[simem:s7], [sflag:s8] =	dma.local @!p0 [hbm:s6], $0xF7A  }
0x23: {  	s9 =	sor.u32 $0xD0000000, s2;
	s6 =	simm.s32 $0x108;
	_ =	swait.ge @!p0 [sflag:s8], $0x0  }
0x24: {  	s3 =	sadd.s32 $0x88, s3;
	s6 =	simm.s32 @!p1 $0x1082;
	[sflag:s4] =	ssyncset.s32 $0xFFFFF086  }
0x25: {  	[simem:s6], [sflag:s4] =	dma.local [hbm:s3], $0xF7A  }
0x26: {  	[smem:$0x3F99] =	sst s1;
	(tag) =	ssettag s2;
	_ =	strace s9  }
0x27: {  	s1 =	sld [smem:$0x3FA9]  }
0x28: {  	s2 =	sld [smem:$0x3FAA]  }
0x29: {  	s4 =	sld [smem:$0x3FAC]  }
0x2a: {  	p0 =	seq.s32 s5, $0x0;
	s5 =	sld [smem:$0x3FAD]  }
0x2b: {  	s6 =	sld [smem:$0x3FAE]  }
0x2c: {  	s7 =	sld [smem:$0x3FAF]  }
0x2d: {  	s3 =	simm.s32 $0x108;
	s8 =	sld [smem:$0x3FB0]  }
0x2e: {  	s3 =	simm.s32 @!p0 $0x1082;
	s9 =	sld [smem:$0x3FB1]  }
0x2f: {  	lr =	sadd.s32 s0, s3;
	s0 =	sld [smem:$0x3FA8]  }
0x30: {  	s3 =	sld [smem:$0x3FAB]  }
0x31: {  	[smem:$0x3FB4] =	sst s10  }
0x32: {  	s10 =	sld [smem:$0x3FB2];
	_ =	sdelay $0x3  }
0x33: {  	p0 =	seq.s32 s10, $0x1;
	s10 =	sld [smem:$0x3FB4];
	_ =	sdelay $0x3  }
0x34: {  	[smem:$0x3FB4] =	sst s10  }
0x35: {  	s10 =	sld [smem:$0x3FB3];
	_ =	sdelay $0x3  }
0x36: {  	p1 =	seq.s32 s10, $0x1;
	s10 =	sld [smem:$0x3FB4];
	_ =	sdelay $0x3  }
0x37: {  	[smem:$0x3FB4] =	sst s10  }
0x38: {  	s10 =	sld [smem:$0x3FB5]  }
0x39: {  	_ = 	snop;
	(pc) =	sbr.ind lr, $3  }
0x3a: {  	_ = 	snop  }
0x3b: {  	_ = 	snop  }
0x3c: {  	p2 =	seq.s32 s10, $0x1;
	s10 =	sld [smem:$0x3FB4]  }
0x3d: {  	_ =	shalt  }
0x3e: {  	_ =	shalt  }
0x3f: {  	_ =	shalt  }
0x40: {  	_ =	shalt  }
0x41: {  	_ =	shalt  }
0x42: {  	_ =	shalt  }
0x43: {  	_ =	shalt  }
0x44: {  	_ =	shalt  }
0x45: {  	_ =	shalt  }
0x46: {  	_ =	shalt  }
0x47: {  	_ =	shalt  }
0x48: {  	_ =	shalt  }
0x49: {  	_ =	shalt  }
0x4a: {  	_ =	shalt  }
0x4b: {  	_ =	shalt  }
0x4c: {  	_ =	shalt  }
0x4d: {  	_ =	shalt  }
0x4e: {  	_ =	shalt  }
0x4f: {  	_ =	shalt  }
0x50: {  	_ =	shalt  }
0x51: {  	_ =	shalt  }
0x52: {  	_ =	shalt  }
0x53: {  	_ =	shalt  }
0x54: {  	_ =	shalt  }
0x55: {  	_ =	shalt  }
0x56: {  	_ =	shalt  }
0x57: {  	_ =	shalt  }
0x58: {  	_ =	shalt  }
0x59: {  	_ =	shalt  }
0x5a: {  	_ =	shalt  }
0x5b: {  	_ =	shalt  }
0x5c: {  	_ =	shalt  }
0x5d: {  	_ =	shalt  }
0x5e: {  	_ =	shalt  }
0x5f: {  	_ =	shalt  }
0x60: {  	_ =	shalt  }
0x61: {  	_ =	shalt  }
0x62: {  	_ =	shalt  }
0x63: {  	_ =	shalt  }
0x64: {  	_ =	shalt  }
0x65: {  	_ =	shalt  }
0x66: {  	_ =	shalt  }
0x67: {  	_ =	shalt  }
0x68: {  	_ =	shalt  }
0x69: {  	_ =	shalt  }
0x6a: {  	_ =	shalt  }
0x6b: {  	_ =	shalt  }
0x6c: {  	_ =	shalt  }
0x6d: {  	_ =	shalt  }
0x6e: {  	_ =	shalt  }
0x6f: {  	_ =	shalt  }
0x70: {  	_ =	shalt  }
0x71: {  	_ =	shalt  }
0x72: {  	_ =	shalt  }
0x73: {  	_ =	shalt  }
0x74: {  	_ =	shalt  }
0x75: {  	_ =	shalt  }
0x76: {  	_ =	shalt  }
0x77: {  	_ =	shalt  }
0x78: {  	_ =	shalt  }
0x79: {  	_ =	shalt  }
0x7a: {  	_ =	shalt  }
0x7b: {  	_ =	shalt  }
0x7c: {  	_ =	shalt  }
0x7d: {  	_ =	shalt  }
0x7e: {  	_ =	shalt  }
0x7f: {  	_ =	shalt  }
0x80: {  	_ =	shalt  }
0x81: {  	_ =	shalt  }
0x82: {  	_ =	shalt  }
0x83: {  	_ =	shalt  }
0x84: {  	_ =	shalt  }
0x85: {  	_ =	shalt  }
0x86: {  	_ =	shalt  }
0x87: {  	_ =	shalt  }
.Lfunc_end0:
.L_simem_size_0:
called_computation_lowered:
.L_overlay_start_0:
0x88: {  	s2 =	sld [smem:$0x3FD9]  }
0x89: {  	s3 =	sld [smem:$0x3FFE];
	_ =	sdelay $0x1  }
0x8a: {  	s1 =	srdreg.scid  }
0x8b: {  	s0 =	sand.u32 $0x1, s1  }
0x8c: {  	s17 =	sshll.u32 s0, $0xA;
	s2 =	sadd.s32 s3, s2  }
0x8d: {  	s2 =	sadd.s32 s2, s17  }
0x8e: {  	[smem:$0x3FC0] =	sst s2  }
0x8f: {  	_ = 	snop  }
0x90: {  	s2 =	sld [smem:$0x3FD0];
	(tm) =	ssettm $0x1  }
0x91: {  	s18 =	sld [smem:$0x3FFB];
	_ =	sdelay $0x3  }
0x92: {  	_ =	strace s18  }
0x93: {  	s3 =	sld [smem:$0x3FFC];
	_ =	sdelay $0x3  }
0x94: {  	_ =	strace s3  }
0x95: {  	s3 =	sld [smem:$0x3FFD];
	_ =	sdelay $0x3  }
0x96: {  	_ =	strace s3  }
0x97: {  	_ =	strace $0x8FFFFFFF  }
0x98: {  	s19 =	sld [smem:$0x3FDB];
	_ =	sdelay $0x1  }
0x99: {  	s4 =	simm.s32 $_scs_section_size  }
0x9a: {  	s5 =	simm.s32 $_size__tile_overlayer_lowered;
	s6 =	simm.s32 $_tile_overlayer_lowered  }
0x9b: {  	s22 =	simm.s32 $0x1BFF;
	s21 =	sshll.u32 s6, $0x1;
	s3 =	sadd.s32 s4, s19  }
0x9c: {  	s7 =	simm.s32 $0x0;
	s20 =	sshll.u32 s5, $0x1;
	s5 =	sadd.s32 s21, s3  }
0x9d: {  	[timem:s7], [sflag:s22] =	dma.local [hbm:s5], s20  }
0x9e: {  	_ =	swait.ge [sflag:s22], s20  }
0x9f: {  	s4 =	ssub.s32 $0x0, s20;
	[sflag:s22] =	ssyncset.done $0x0  }
0xa0: {  	[sflag:s22] =	ssyncadd.s32 s4;
	_ =	sdelay $0x1  }
0xa1: {  	s23 =	simm.s32 $0x1B8B  }
0xa2: {  	_ =	swait.ge [sflag:s23], $0x1  }
0xa3: {  	[sflag:s23] =	ssyncset.done $0x0  }
0xa4: {  	s25 =	simm.s32 $0x1B8E;
	s24 =	sld [smem:$0x3FFE];
	[sflag:s23] =	ssyncadd.s32 $0xFFFFFFFF  }
0xa5: {  	s26 =	simm.s32 $execute0_lowered;
	[smem:$0x3FD2] =	sst s25  }
0xa6: {  	s5 =	sshll.u32 s26, $0x1;
	_ =	strace $0x80000046;
	[dreg:$0x1] =	wrdreg $0xFFFFFFFF  }
0xa7: {  	s28 =	simm.s32 $_size_execute0_lowered;
	s3 =	sadd.s32 s3, s5;
	[dreg:$0x0] =	wrdreg $0x0  }
0xa8: {  	s5 =	sshll.u32 s28, $0x1;
	[dreg:$0x2] =	wrdreg s3  }
0xa9: {  	[dreg:$0x3] =	wrdreg s5  }
0xaa: {  	[dreg:$0x4] =	wrdreg $0xC0  }
0xab: {  	_ =	task [dreg:s7], $0x5FFFF  }
0xac: {  	[dreg:$0x1] =	wrdreg $0xFFFFFFFF  }
0xad: {  	[dreg:$0x0] =	wrdreg $0x60  }
0xae: {  	[dreg:$0x2] =	wrdreg s24  }
0xaf: {  	[dreg:$0x3] =	wrdreg s2  }
0xb0: {  	[dreg:$0x4] =	wrdreg $0x126000  }
0xb1: {  	[dreg:$0x5] =	wrdreg $0x1C4000  }
0xb2: {  	[dreg:$0x6] =	wrdreg $0x9  }
0xb3: {  	_ =	task.clear_ibuf [dreg:s7], $0x7FFFF;
	_ =	strace $0x90000046  }
0xb4: {  	s29 =	simm.s32 $0x9;
	_ =	strace $0x80000048  }
0xb5: {  	_ =	swait.ge [sflag:s29], $0x1  }
0xb6: {  	[sflag:s29] =	ssyncadd.s32 $0xFFFFFFFF  }
0xb7: {  	_ =	strace $0x90000048  }
0xb8: {  	_ =	sfence  }
0xb9: {  	s30 =	sld [smem:$0x0];
	_ =	sdelay $0x2  }
0xba: {  	s31 =	sshll.u32 s1, $0xD;
	s1 =	sshrl.u32 s1, $0x2  }
0xbb: {  	s3 =	sand.u32 $0x4000, s31;
	s1 =	sadd.s32 s1, s30  }
0xbc: {  	s0 =	sor.u32 s3, s0;
	s1 =	sshll.u32 s1, $0x11  }
0xbd: {  	s0 =	sor.u32 s1, s0  }
0xbe: {  	s0 =	sadd.s32 $0x8F2B, s0  }
0xbf: {  	[sflag:s0] =	ssyncadd.remote.s32 $0x1  }
0xc0: {  	_ =	sfence.sel $0xFFFF  }
0xc1: {  	[dreg:$0x0] =	wrdreg $0xFFFFFFFF;
	(pc) =	sbr.abs _section_cstart, $3  }
0xc2: {  	[dreg:$0x1] =	wrdreg $0xFFFFFFFF  }
0xc3: {  	_ =	task.clear_ibuf [dreg:s7], $0x2FFFF;
	_ =	strace $0x9FFFFFFF  }
0xc4: {  	(tm) =	ssettm $0x7FFFFFFF  }
0xc5: {  	_ =	shalt  }
tec
execute0_lowered:
.L_overlay_start_1:
0x0: {  	(tag) =	ssettag $0x1  }
0x1: {  	s0 =	rddreg [dreg:$0x0]  }
0x2: {  	s1 =	rddreg [dreg:$0x1]  }
0x3: {  	s3 =	rddreg [dreg:$0x2]  }
0x4: {  	s4 =	rddreg [dreg:$0x3];
	s5 =	simm.s32 $0x0;
	s16 =	stileid.u32  }
0x5: {  	s9 =	srdreg.scid;
	s17 =	simm.s32 $0xB;
	s28 =	simm.s32 $0x11E00  }
0x6: {  	s29 =	simm.s32 $0x80;
	[smem:$0x7FF] =	sst s5;
	s2 =	smul.u32 $0x9E0, s16  }
0x7: {  	s6 =	sadd.s32 $0x1800, s0;
	s8 =	smul.u32 $0x9E00, s16;
	s7 =	sadd.s32 $0x28E00, s0  }
0x8: {  	s9 =	sand.u32 $0x1, s9;
	s10 =	smul.u32 $0x27800, s16;
	s11 =	sadd.s32 $0x29000, s0  }
0x9: {  	s15 =	smul.u32 $0x2780, s16;
	_ =	strace $0x80000047;
	[dreg:$0x5] =	wrdreg s11  }
0xa: {  	s12 =	ssub.s32 $0x2, s9;
	p0 =	seq.s32 s9, $0x1;
	s2 =	sadd.s32 s2, s0  }
0xb: {  	s19 =	sshrl.u32 s8, $0x3;
	s20 =	sshrl.u32 s12, $0x1;
	s10 =	sshrl.u32 s10, $0x2  }
0xc: {  	s22 =	sadd.s32 s8, s3;
	s24 =	sshrl.u32 s8, $0x2;
	s26 =	sadd.s32 s15, s4  }
0xd: {  	s15 =	sshrl.u32 s15, $0x3;
	s13 =	sadd.s32 s19, s0;
	s12 =	ssub.s32 s12, s20  }
0xe: {  	s21 =	sadd.s32 s10, s3;
	[dreg:$0x6] =	wrdreg s22;
	s23 =	sadd.s32 $0x1F000, s2  }
0xf: {  	s11 =	sadd.s32 $0x15200, s2;
	[dreg:$0x9] =	wrdreg s26;
	s2 =	sadd.s32 s24, s4  }
0x10: {  	s0 =	sadd.s32 s0, s15;
	s20 =	sshll.u32 s16, $0x6;
	s10 =	sadd.s32 $0x2000, s21  }
0x11: {  	s14 =	sadd.s32 $0x4000, s21;
	s18 =	sadd.s32 $0x6000, s21;
	s9 =	sadd.s32 $0x8000, s21  }
0x12: {  	[dreg:$0x7] =	wrdreg s23;
	s25 =	sadd.s32 $0x33000, s13;
	s30 =	sadd.s32 $0x800, s2  }
0x13: {  	s31 =	sadd.s32 $0x1000, s2;
	s19 =	sadd.s32 $0x1800, s2;
	s2 =	sadd.s32 $0x2000, s2  }
0x14: {  	s0 =	sadd.s32 $0x2E100, s0;
	s15 =	smax.u32 s12, $0x1;
	[dreg:$0x8] =	wrdreg s25  }
0x15: {  	s16 =	sor.u32 $0x1C0B, s20;
	[dreg:$0xa] =	wrdreg s0;
	s21 =	sshrl.u32 s30, $0x3  }
0x16: {  	s12 =	simm.s32 $0x5;
	s22 =	sshrl.u32 s31, $0x3;
	[dreg:$0xb] =	wrdreg s21  }
0x17: {  	s13 =	simm.s32 $0x6;
	s23 =	sshrl.u32 s19, $0x3;
	[dreg:$0xc] =	wrdreg s22  }
0x18: {  	s24 =	sshrl.u32 s2, $0x3;
	s25 =	sshrl.u32 s10, $0x3;
	[dreg:$0xd] =	wrdreg s23  }
.Ltmp0:
0x19: {  	s26 =	sshrl.u32 s14, $0x3;
	[dreg:$0xe] =	wrdreg s24;
	(pc) =	sbr.rel .LBB2_1-.Ltmp0, $4  }
0x1a: {  	s30 =	sshrl.u32 s18, $0x3;
	s31 =	sshrl.u32 s9, $0x3;
	[dreg:$0xf] =	wrdreg s25  }
0x1b: {  	s0 =	simm.s32 $0xA;
	s9 =	simm.s32 $0x1;
	[dreg:$0x10] =	wrdreg s26  }
0x1c: {  	s10 =	simm.s32 $0x2;
	s14 =	simm.s32 $0x0;
	[dreg:$0x11] =	wrdreg s30  }
0x1d: {  	[dreg:$0x12] =	wrdreg s31;
	s26 =	simm.s32 $0x4F00;
	s22 =	simm.s32 $0x4F80  }
.LBB2_7:
0x1e: {  	[sflag:s20] =	ssyncset.done $0x0  }
0x1f: {  	s2 =	sadd.s32 $0x80, s19;
	s30 =	simm.s32 $0x9;
	[sflag:s20] =	ssyncadd.s32 $0xFFFFF800  }
0x20: {  	[spmem:s4] =	stream.indirect.scatter.add.f32 [tilespmem:s28], [sflag:s20], $0x10, s2, s29, $0xb8;
	[tilespmem:$0x1EB80] =	vst v63  }
0x21: {  	_ =	swait.ge [sflag:s30], $0x800  }
0x22: {  	[sflag:s30] =	ssyncset.done $0x0  }
0x23: {  	[sflag:s30] =	ssyncadd.s32 $0xFFFFF800  }
0x24: {  	_ =	swait.ge [sflag:s0], $0x800  }
0x25: {  	[sflag:s0] =	ssyncset.done $0x0  }
0x26: {  	[sflag:s0] =	ssyncadd.s32 $0xFFFFF800  }
0x27: {  	[bflag:$0x0] =	sbarrier.arrive $0xFFFF  }
0x28: {  	s31 =	rddreg [dreg:$0xa]  }
0x29: {  	[hbm:s31], [sflag:s16] =	dma.local [spmem:s18], $0x4F0  }
0x2a: {  	_ =	swait.ge [sflag:s17], $0x4F0  }
0x2b: {  	[sflag:s17] =	ssyncset.done $0x0  }
0x2c: {  	[sflag:s17] =	ssyncadd.s32 $0xFFFFFB10  }
.LBB2_8:
0x2d: {  	s14 =	sadd.s32 $0x1, s14  }
0x2e: {  	p1 =	sne.s32 s14, s15  }
.Ltmp1:
0x2f: {  	_ = 	snop;
	(pc) =	sbr.rel @!p1 .LBB2_9-.Ltmp1, $1  }
0x30: {  	_ =	sdelay $0x3  }
.LBB2_1:
.Ltmp2:
0x31: {  	(pc) =	sbr.rel @!p0 .LBB2_2-.Ltmp2, $1  }
0x32: {  	_ =	sdelay $0x3  }
0x33: {  	s2 =	rddreg [dreg:$0x9]  }
0x34: {  	s18 =	sshrl.u32 s2, $0x3  }
0x35: {  	[spmem:s18], [sflag:s16] =	dma.local [hbm:s7], $0x100  }
0x36: {  	_ =	swait.ge [sflag:s17], $0x100  }
0x37: {  	[sflag:s17] =	ssyncset.done $0x0  }
0x38: {  	s21 =	rddreg [dreg:$0xb];
	[sflag:s17] =	ssyncadd.s32 $0xFFFFFF00  }
0x39: {  	[spmem:s21], [sflag:s16] =	dma.local [hbm:s7], $0x100  }
0x3a: {  	_ =	swait.ge [sflag:s17], $0x100  }
0x3b: {  	[sflag:s17] =	ssyncset.done $0x0  }
0x3c: {  	s23 =	rddreg [dreg:$0xc];
	[sflag:s17] =	ssyncadd.s32 $0xFFFFFF00  }
0x3d: {  	[spmem:s23], [sflag:s16] =	dma.local [hbm:s7], $0x100  }
0x3e: {  	_ =	swait.ge [sflag:s17], $0x100  }
0x3f: {  	[sflag:s17] =	ssyncset.done $0x0  }
0x40: {  	s24 =	rddreg [dreg:$0xd];
	[sflag:s17] =	ssyncadd.s32 $0xFFFFFF00  }
0x41: {  	[spmem:s24], [sflag:s16] =	dma.local [hbm:s7], $0x100  }
0x42: {  	_ =	swait.ge [sflag:s17], $0x100  }
0x43: {  	[sflag:s17] =	ssyncset.done $0x0  }
0x44: {  	s25 =	rddreg [dreg:$0xe];
	[sflag:s17] =	ssyncadd.s32 $0xFFFFFF00  }
0x45: {  	[spmem:s25], [sflag:s16] =	dma.local [hbm:s7], $0xF0  }
0x46: {  	_ =	swait.ge [sflag:s17], $0xF0  }
0x47: {  	[sflag:s17] =	ssyncset.done $0x0  }
0x48: {  	[sflag:s17] =	ssyncadd.s32 $0xFFFFFF10  }
0x49: {  	[tilespmem:s26], [sflag:$0xB] =	stream.linear.gather [hbm4b:s11+s5], $0x4F00, $0x38;
	[tilespmem:$0x1EB80] =	vst v63  }
0x4a: {  	_ =	swait.ge [sflag:s17], $0x4F00  }
0x4b: {  	[sflag:s17] =	ssyncset.done $0x0  }
0x4c: {  	s30 =	rddreg [dreg:$0x5];
	[sflag:s17] =	ssyncadd.s32 $0xFFFFB100  }
0x4d: {  	[tilespmem:s28], [sflag:$0xB] =	stream.linear.gather [hbm4b:s30+s5], $0x800, $0x38;
	[tilespmem:$0x1EB80] =	vst v63  }
0x4e: {  	_ =	swait.ge [sflag:s17], $0x800  }
0x4f: {  	[sflag:s17] =	ssyncset.done $0x0  }
0x50: {  	s31 =	simm.s32 $0x2;
	[sflag:s17] =	ssyncadd.s32 $0xFFFFF800  }
0x51: {  	s2 =	sand.u32 $0x1, s31;
	[bflag:$0x0] =	sbarrier.arrive $0xFFFF  }
0x52: {  	[spmem:s4] =	stream.indirect.scatter.add.f32 [tilespmem:s28], [sflag:$0x9], $0x10, s26, s29, $0xb8;
	[tilespmem:$0x1EB80] =	vst v63  }
0x53: {  	s2 =	sadd.s32 $0x9, s2  }
0x54: {  	[spmem:s4] =	stream.indirect.scatter.add.f32 [tilespmem:s28], [sflag:$0xA], $0x10, s22, s29, $0xb8;
	[tilespmem:$0x1EB80] =	vst v63  }
0x55: {  	s8 =	simm.s32 $0x3;
	_ =	swait.ge [sflag:s2], $0x800  }
0x56: {  	s8 =	sand.u32 $0x1, s8;
	[sflag:s2] =	ssyncset.done $0x0  }
0x57: {  	s19 =	simm.s32 $0x5000;
	s20 =	sadd.s32 $0x9, s8;
	[sflag:s2] =	ssyncadd.s32 $0xFFFFF800  }
0x58: {  	[spmem:s4] =	stream.indirect.scatter.add.f32 [tilespmem:s28], [sflag:s2], $0x10, s19, s29, $0xb8;
	[tilespmem:$0x1EB80] =	vst v63  }
0x59: {  	s21 =	simm.s32 $0x4;
	_ =	swait.ge [sflag:s20], $0x800  }
.LBB2_6:
0x5a: {  	s2 =	sand.u32 $0x1, s21  }
0x5b: {  	[sflag:s20] =	ssyncset.done $0x0;
	s19 =	sadd.s32 $0x80, s19;
	p1 =	sne.s32 s21, $0x9D  }
.Ltmp3:
0x5c: {  	s2 =	sadd.s32 $0x9, s2;
	[sflag:s20] =	ssyncadd.s32 $0xFFFFF800;
	(pc) =	sbr.rel @p1 .LBB2_6-.Ltmp3, $3  }
0x5d: {  	[spmem:s4] =	stream.indirect.scatter.add.f32 [tilespmem:s28], [sflag:s20], $0x10, s19, s29, $0xb8;
	[tilespmem:$0x1EB80] =	vst v63  }
0x5e: {  	s20 =	smov.u32 s2;
	_ =	swait.ge [sflag:s2], $0x800;
	_ =	sdelay $0x1  }
0x5f: {  	s21 =	sadd.s32 $0x1, s21  }
.Ltmp4:
0x60: {  	_ = 	snop;
	(pc) =	sbr.rel .LBB2_7-.Ltmp4, $1  }
0x61: {  	_ =	sdelay $0x3  }
.LBB2_2:
0x62: {  	s2 =	rddreg [dreg:$0x6]  }
0x63: {  	s18 =	sshrl.u32 s2, $0x3  }
0x64: {  	[spmem:s18], [sflag:s16] =	dma.local [hbm:s1], $0x400  }
0x65: {  	_ =	swait.ge [sflag:s17], $0x400  }
0x66: {  	[sflag:s17] =	ssyncset.done $0x0  }
0x67: {  	s31 =	rddreg [dreg:$0xf];
	[sflag:s17] =	ssyncadd.s32 $0xFFFFFC00  }
0x68: {  	[spmem:s31], [sflag:s16] =	dma.local [hbm:s1], $0x400  }
0x69: {  	_ =	swait.ge [sflag:s17], $0x400  }
0x6a: {  	[sflag:s17] =	ssyncset.done $0x0  }
0x6b: {  	s8 =	rddreg [dreg:$0x10];
	[sflag:s17] =	ssyncadd.s32 $0xFFFFFC00  }
0x6c: {  	[spmem:s8], [sflag:s16] =	dma.local [hbm:s1], $0x400  }
0x6d: {  	_ =	swait.ge [sflag:s17], $0x400  }
0x6e: {  	[sflag:s17] =	ssyncset.done $0x0  }
0x6f: {  	s19 =	rddreg [dreg:$0x11];
	[sflag:s17] =	ssyncadd.s32 $0xFFFFFC00  }
0x70: {  	[spmem:s19], [sflag:s16] =	dma.local [hbm:s1], $0x400  }
0x71: {  	_ =	swait.ge [sflag:s17], $0x400  }
0x72: {  	[sflag:s17] =	ssyncset.done $0x0  }
0x73: {  	s20 =	rddreg [dreg:$0x12];
	[sflag:s17] =	ssyncadd.s32 $0xFFFFFC00  }
0x74: {  	[spmem:s20], [sflag:s16] =	dma.local [hbm:s1], $0x3C0  }
0x75: {  	_ =	swait.ge [sflag:s17], $0x3C0  }
0x76: {  	[sflag:s17] =	ssyncset.done $0x0  }
0x77: {  	s21 =	rddreg [dreg:$0x7];
	[sflag:s17] =	ssyncadd.s32 $0xFFFFFC40  }
0x78: {  	[tilespmem:s5], [sflag:$0xB] =	stream.linear.gather [hbm4b:s21+s5], $0x4F00, $0x38;
	[tilespmem:$0x1EB80] =	vst v63  }
0x79: {  	_ =	swait.ge [sflag:s17], $0x4F00  }
0x7a: {  	[sflag:s17] =	ssyncset.done $0x0  }
0x7b: {  	[sflag:s17] =	ssyncadd.s32 $0xFFFFB100  }
0x7c: {  	[tilespmem:s26], [sflag:$0xB] =	stream.linear.gather [hbm4b:s11+s5], $0x4F00, $0x38;
	[tilespmem:$0x1EB80] =	vst v63  }
0x7d: {  	_ =	swait.ge [sflag:s17], $0x4F00  }
0x7e: {  	[sflag:s17] =	ssyncset.done $0x0  }
0x7f: {  	[sflag:s17] =	ssyncadd.s32 $0xFFFFB100  }
0x80: {  	s23 =	simm.s32 $0x9E00;
	[bflag:$0x0] =	sbarrier.arrive $0xFFFF  }
0x81: {  	[tilespmem:s23], [sflag:$0x1] =	stream.indirect.gather [hbm4b:s6+s29], $0x40, s5, s29, $0xb8;
	[tilespmem:$0x1EB80] =	vst v63  }
0x82: {  	s8 =	simm.s32 $0xBE00  }
0x83: {  	[tilespmem:s8], [sflag:$0x2] =	stream.indirect.gather [hbm4b:s6+s29], $0x40, s29, s29, $0xb8;
	[tilespmem:$0x1EB80] =	vst v63  }
0x84: {  	_ =	swait.ge [sflag:s9], $0x2000  }
0x85: {  	[sflag:s9] =	ssyncset.done $0x0  }
0x86: {  	[sflag:s9] =	ssyncadd.s32 $0xFFFFE000  }
0x87: {  	[spmem:s3] =	stream.indirect.scatter.add.f32 [tilespmem:s23], [sflag:$0x5], $0x40, s26, s29, $0xb8;
	[tilespmem:$0x1EB80] =	vst v63  }
0x88: {  	s24 =	simm.s32 $0x100;
	s25 =	simm.s32 $0x180;
	s19 =	simm.s32 $0xDE00  }
0x89: {  	[tilespmem:s19], [sflag:$0x3] =	stream.indirect.gather [hbm4b:s6+s29], $0x40, s24, s29, $0xb8;
	[tilespmem:$0x1EB80] =	vst v63  }
0x8a: {  	p1 =	por $0x0, $0x0;
	s2 =	simm.s32 $0x2;
	_ =	swait.ge [sflag:s10], $0x2000  }
0x8b: {  	s31 =	simm.s32 $0xFE00;
	s21 =	sand.u32 $0x3, s2;
	[sflag:s10] =	ssyncset.done $0x0  }
0x8c: {  	s20 =	simm.s32 $0x5;
	s30 =	sshll.u32 s21, $0xD;
	[sflag:s10] =	ssyncadd.s32 $0xFFFFE000  }
0x8d: {  	[spmem:s3] =	stream.indirect.scatter.add.f32 [tilespmem:s8], [sflag:$0x6], $0x40, s22, s29, $0xb8;
	[tilespmem:$0x1EB80] =	vst v63  }
0x8e: {  	s30 =	sor.u32 $0x9E00, s30;
	s23 =	simm.s32 $0x4;
	s8 =	sadd.s32 $0x1, s21  }
0x8f: {  	[tilespmem:s31], [sflag:$0x4] =	stream.indirect.gather [hbm4b:s6+s29], $0x40, s25, s29, $0xb8;
	[tilespmem:$0x1EB80] =	vst v63  }
0x90: {  	s19 =	simm.s32 $0x200;
	s24 =	simm.s32 $0x5000;
	_ =	swait.ge [sflag:s8], $0x2000  }
0x91: {  	s22 =	sand.u32 @!p1 $0x3, s23;
	s25 =	sxor.u32 $0x2, s21;
	[sflag:s8] =	ssyncset.done $0x0  }
0x92: {  	s21 =	sadd.s32 $0x5, s21;
	s31 =	sadd.s32 $0x5, s25;
	[sflag:s8] =	ssyncadd.s32 $0xFFFFE000  }
0x93: {  	[spmem:s3] =	stream.indirect.scatter.add.f32 [tilespmem:s30], [sflag:s21], $0x40, s24, s29, $0xb8;
	[tilespmem:$0x1EB80] =	vst v63  }
0x94: {  	s23 =	sshll.u32 @!p1 s22, $0xD;
	s22 =	sadd.s32 @!p1 $0x1, s22;
	_ =	swait.ge [sflag:s31], $0x2000  }
0x95: {  	s23 =	sor.u32 @!p1 $0x9E00, s23;
	s21 =	simm.s32 $0x5080;
	[sflag:s31] =	ssyncset.done $0x0  }
0x96: {  	s30 =	simm.s32 $0x280;
	s24 =	simm.s32 @!p1 $0x80;
	[sflag:s31] =	ssyncadd.s32 $0xFFFFE000  }
.LBB2_3:
0x97: {  	[tilespmem:s23], [sflag:s22] =	stream.indirect.gather @!p1 [hbm4b:s6+s24], $0x40, s19, s24, $0xb8;
	[tilespmem:$0x1EB80] =	vst v63  }
0x98: {  	s22 =	smov.u32 s20;
	s23 =	smov.u32 s21;
	s19 =	smov.u32 s30  }
0x99: {  	s20 =	sadd.s32 $0x1, s20;
	s24 =	sadd.s32 $0xFFFFFFFE, s22  }
0x9a: {  	p2 =	sne.s32 s20, $0xA0;
	s2 =	sand.u32 $0x3, s24  }
0x9b: {  	s25 =	sshll.u32 s2, $0xD;
	s8 =	sadd.s32 $0x1, s2;
	s31 =	sxor.u32 $0x2, s2  }
0x9c: {  	s21 =	sadd.s32 $0x80, s21;
	p1 =	sgt.u32 s24, $0x9B;
	_ =	swait.ge [sflag:s8], $0x2000  }
0x9d: {  	s2 =	sadd.s32 $0x5, s2;
	s24 =	sadd.s32 $0x5, s31;
	[sflag:s8] =	ssyncset.done $0x0  }
.Ltmp5:
0x9e: {  	s25 =	sor.u32 $0x9E00, s25;
	[sflag:s8] =	ssyncadd.s32 $0xFFFFE000;
	(pc) =	sbr.rel @p2 .LBB2_3-.Ltmp5, $4  }
0x9f: {  	[spmem:s3] =	stream.indirect.scatter.add.f32 [tilespmem:s25], [sflag:s2], $0x40, s23, s29, $0xb8;
	[tilespmem:$0x1EB80] =	vst v63  }
0xa0: {  	s30 =	sadd.s32 $0x80, s30;
	s2 =	sand.u32 @!p1 $0x3, s22;
	_ =	swait.ge [sflag:s24], $0x2000  }
0xa1: {  	s8 =	sshll.u32 @!p1 s2, $0xD;
	s22 =	sadd.s32 @!p1 $0x1, s2;
	[sflag:s24] =	ssyncset.done $0x0  }
0xa2: {  	s23 =	sor.u32 @!p1 $0x9E00, s8;
	[sflag:s24] =	ssyncadd.s32 $0xFFFFE000;
	s24 =	simm.s32 @!p1 $0x80  }
0xa3: {  	[tilespmem:s23], [sflag:s22] =	stream.indirect.gather @!p1 [hbm4b:s6+s24], $0x40, s19, s24, $0xb8;
	[tilespmem:$0x1EB80] =	vst v63  }
0xa4: {  	_ =	swait.ge [sflag:s12], $0x2000  }
0xa5: {  	[sflag:s12] =	ssyncset.done $0x0  }
0xa6: {  	[sflag:s12] =	ssyncadd.s32 $0xFFFFE000  }
0xa7: {  	_ =	swait.ge [sflag:s13], $0x2000  }
0xa8: {  	[sflag:s13] =	ssyncset.done $0x0  }
0xa9: {  	[sflag:s13] =	ssyncadd.s32 $0xFFFFE000  }
0xaa: {  	[bflag:$0x0] =	sbarrier.arrive $0xFFFF  }
.Ltmp6:
0xab: {  	s2 =	rddreg [dreg:$0x8];
	(pc) =	sbr.rel .LBB2_8-.Ltmp6, $4  }
0xac: {  	[hbm:s2], [sflag:s16] =	dma.local [spmem:s18], $0x13C0  }
0xad: {  	_ =	swait.ge [sflag:s17], $0x13C0  }
0xae: {  	[sflag:s17] =	ssyncset.done $0x0  }
0xaf: {  	s22 =	simm.s32 $0x4F80;
	[sflag:s17] =	ssyncadd.s32 $0xFFFFEC40  }
.LBB2_9:
0xb0: {  	_ =	sfence.sel $0x180000  }
0xb1: {  	[bflag:$0x0] =	sbarrier.arrive $0xFFFF  }
0xb2: {  	_ =	strace $0x90000047  }
0xb3: {  	s0 =	stileid.u32;
	[bflag:$0x2] =	sbarrier.arrive $0xFFFF  }
0xb4: {  	p0 =	sne.s32 s0, $0x0;
	s0 =	rddreg [dreg:$0x4]  }
0xb5: {  	s0 =	sadd.s32 @!p0 $0x100000, s0  }
0xb6: {  	[sflag:s0] =	ssyncadd.tile.s32 @!p0 $0x1;
	_ =	shalt  }
.Lfunc_end2:
_tile_overlayer_lowered:
.L_overlay_start_2:
0xb7: {  	(tag) =	ssettag $0x2  }
0xb8: {  	s0 =	rddreg [dreg:$0x0];
	s2 =	stileid.u32  }
0xb9: {  	s1 =	rddreg [dreg:$0x1];
	p0 =	sne.s32 s2, $0x0  }
0xba: {  	s3 =	rddreg [dreg:$0x2];
	[bflag:$0x3] =	sbarrier.arrive $0xFFFF;
	s2 =	simm.s32 @!p0 $0x1C0B  }
0xbb: {  	[timem:s3], [sflag:s2] =	dma.local @!p0 [hbm:s0], s1  }
0xbc: {  	s0 =	simm.s32 @!p0 $0xB  }
0xbd: {  	_ =	swait.ge @!p0 [sflag:s0], s1  }
0xbe: {  	s1 =	ssub.s32 @!p0 $0x0, s1;
	[sflag:s0] =	ssyncset.done @!p0 $0x0  }
0xbf: {  	[sflag:s0] =	ssyncadd.s32 @!p0 s1  }
0xc0: {  	[bflag:$0x3] =	sbarrier.arrive $0xFFFF  }
0xc1: {  	_ =	shalt  }

</sc_bundles>
